<compile_context>
chip_gen: v7x
topology: tpu7x:2x2x1
jax: 0.10.2.dev20260603
libtpu: 0.0.44.dev20260713+nightly
codegen_flags: <defaults>
</compile_context>

<pallas_src>
import functools

import jax
import jax.numpy as jnp
from jax import lax
from jax.experimental import pallas as pl
from jax.experimental.pallas import tpu as pltpu
from jax.experimental.pallas import tpu_sc as plsc

_ROWS = 16384
_COLS = 2048

_SC_ROWS = 6144
_NC = 2
_NS = 16
_NW = _NC * _NS
_WROWS = _SC_ROWS // _NW
_CR = 16
_NCHUNK = _WROWS // _CR

_mesh = plsc.VectorSubcoreMesh(core_axis_name="c", subcore_axis_name="s")


@functools.partial(
    pl.kernel,
    out_type=jax.ShapeDtypeStruct((_SC_ROWS, _COLS), jnp.float32),
    mesh=_mesh,
    scratch_types=[
        pltpu.VMEM((_CR, _COLS), jnp.float32),
        pltpu.VMEM((_CR, _COLS), jnp.float32),
        pltpu.SemaphoreType.DMA((2,)),
        pltpu.SemaphoreType.DMA((2,)),
    ],
)
def _sc_copy(x_hbm, o_hbm, buf0, buf1, sem_in, sem_out):
    wid = lax.axis_index("s") * _NC + lax.axis_index("c")
    base = wid * _WROWS
    bufs = (buf0, buf1)

    def in_copy(j):
        b = j % 2
        sl = pl.ds(base + j * _CR, _CR)
        return pltpu.make_async_copy(x_hbm.at[sl], bufs[b], sem_in.at[b])

    def out_copy(j):
        b = j % 2
        sl = pl.ds(base + j * _CR, _CR)
        return pltpu.make_async_copy(bufs[b], o_hbm.at[sl], sem_out.at[b])

    in_copy(0).start()
    in_copy(1).start()
    for j in range(_NCHUNK):
        in_copy(j).wait()
        out_copy(j).start()
        if j + 2 < _NCHUNK:
            out_copy(j).wait()
            in_copy(j + 2).start()
    out_copy(_NCHUNK - 2).wait()
    out_copy(_NCHUNK - 1).wait()


_TC_ROWS = _ROWS - _SC_ROWS
_BLOCK_ROWS = 1024


def _tc_body(x_ref, o_ref):
    o_ref[...] = x_ref[...]


_SC_BLOCKS = _SC_ROWS // _BLOCK_ROWS


def _tc_copy(x2):
    return pl.pallas_call(
        _tc_body,
        grid=(_TC_ROWS // _BLOCK_ROWS,),
        in_specs=[pl.BlockSpec((_BLOCK_ROWS, _COLS), lambda i: (i + _SC_BLOCKS, 0))],
        out_specs=pl.BlockSpec((_BLOCK_ROWS, _COLS), lambda i: (i, 0)),
        out_shape=jax.ShapeDtypeStruct((_TC_ROWS, _COLS), x2.dtype),
        compiler_params=pltpu.CompilerParams(
            dimension_semantics=("arbitrary",),
        ),
    )(x2)


def kernel(x):
    x2 = x.reshape(_ROWS, _COLS)
    top = _sc_copy(x2)
    bot = _tc_copy(x2)
    return jnp.concatenate([top, bot], axis=0).reshape(x.shape)

# --- scband reference (transcript-rebuilt; emitter-appended) ---
"""Pipeline reference for scband-cdmodule-39676907888274 (READ-ONLY COPY).

The authoritative reference and input builder live on the scoring server;
editing this copy changes nothing except your own understanding.
"""

import jax, jax.numpy as jnp
import numpy as np

# CDModule is constructed with channel_ratio only. The buffers
# outlier_channel_idx / num_disassembly / scaling_factors are None until
# find_outlier_channels() is explicitly called (it is NOT called in forward).
# Therefore forward(x) at construction time is the identity function.

def setup_inputs(seed: int = 0) -> dict:
    key = jax.random.key(seed)
    x = jax.random.normal(key, (2, 8192, 2048), dtype=jnp.float32)
    return {"x": x}

def reference(x):
    # outlier_channel_idx is None -> forward returns x unchanged
    return x

if __name__ == "__main__":
    import jax
    _d = setup_inputs()
    print(jax.jit(kernel)(*tuple(_d.values())))

</pallas_src>

<mosaic_0001>
#map = affine_map<(d0, d1) -> (0, 0)>
module attributes {stable_mosaic.version = 14 : i64} {
  func.func @_sc_copy(%arg0: i32, %arg1: i32, %arg2: memref<16384x2048xf32, #tpu.memory_space<hbm>>, %arg3: memref<6144x2048xf32, #tpu.memory_space<hbm>>, %arg4: memref<16x2048xf32, #tpu.memory_space<vmem>>, %arg5: memref<16x2048xf32, #tpu.memory_space<vmem>>, %arg6: memref<2x!tpu.dma_semaphore, #tpu.memory_space<semaphore_mem>>, %arg7: memref<2x!tpu.dma_semaphore, #tpu.memory_space<semaphore_mem>>) attributes {dimension_semantics = [#tpu.dimension_semantics<core_parallel>, #tpu.dimension_semantics<subcore_parallel>], iteration_bounds = array<i64: 2, 16>, scalar_prefetch = 0 : i64, scratch_operands = 4 : i64, tpu.core_type = #tpu.core_type<sc_vector_subcore>, window_params = [{transform_indices = #map}, {transform_indices = #map}]} {
    %mul3A = arith.constant 2 : i32
    %mul3A_0 = arith.muli %arg1, %mul3A : i32
    %add3A = arith.addi %mul3A_0, %arg0 : i32
    %mul3A_1 = arith.constant 192 : i32
    %mul3A_2 = arith.muli %add3A, %mul3A_1 : i32
    %add3A_3 = arith.constant 0 : i32
    %add3A_4 = arith.addi %mul3A_2, %add3A_3 : i32
    %dma_start3A = arith.constant 0 : i32
    %dma_start3A_5 = arith.constant 0 : i32
    %dma_start3A_6 = tpu.memref_slice %arg2[%add3A_4, %dma_start3A_5] : memref<16384x2048xf32, #tpu.memory_space<hbm>> -> memref<16x2048xf32, #tpu.memory_space<hbm>>
    %dma_start3A_7 = tpu.memref_slice %arg6[%dma_start3A] : memref<2x!tpu.dma_semaphore, #tpu.memory_space<semaphore_mem>> -> memref<1x!tpu.dma_semaphore, #tpu.memory_space<semaphore_mem>>
    %dma_start3A_8 = tpu.memref_squeeze %dma_start3A_7 : memref<1x!tpu.dma_semaphore, #tpu.memory_space<semaphore_mem>> -> memref<!tpu.dma_semaphore, #tpu.memory_space<semaphore_mem>>
    %dma_start3A_9 = arith.constant 0 : i32
    %dma_start3A_10 = tpu.memref_slice %arg2[%add3A_4, %dma_start3A_9] : memref<16384x2048xf32, #tpu.memory_space<hbm>> -> memref<16x2048xf32, #tpu.memory_space<hbm>>
    tpu.enqueue_dma source(%dma_start3A_10 : memref<16x2048xf32, #tpu.memory_space<hbm>>) target(%arg4 : memref<16x2048xf32, #tpu.memory_space<vmem>>) target_semaphore(%dma_start3A_8 : memref<!tpu.dma_semaphore, #tpu.memory_space<semaphore_mem>>)
    %add3A_11 = arith.constant 16 : i32
    %add3A_12 = arith.addi %mul3A_2, %add3A_11 : i32
    %dma_start3A_13 = arith.constant 1 : i32
    %dma_start3A_14 = arith.constant 0 : i32
    %dma_start3A_15 = tpu.memref_slice %arg2[%add3A_12, %dma_start3A_14] : memref<16384x2048xf32, #tpu.memory_space<hbm>> -> memref<16x2048xf32, #tpu.memory_space<hbm>>
    %dma_start3A_16 = tpu.memref_slice %arg6[%dma_start3A_13] : memref<2x!tpu.dma_semaphore, #tpu.memory_space<semaphore_mem>> -> memref<1x!tpu.dma_semaphore, #tpu.memory_space<semaphore_mem>>
    %dma_start3A_17 = tpu.memref_squeeze %dma_start3A_16 : memref<1x!tpu.dma_semaphore, #tpu.memory_space<semaphore_mem>> -> memref<!tpu.dma_semaphore, #tpu.memory_space<semaphore_mem>>
    %dma_start3A_18 = arith.constant 0 : i32
    %dma_start3A_19 = tpu.memref_slice %arg2[%add3A_12, %dma_start3A_18] : memref<16384x2048xf32, #tpu.memory_space<hbm>> -> memref<16x2048xf32, #tpu.memory_space<hbm>>
    tpu.enqueue_dma source(%dma_start3A_19 : memref<16x2048xf32, #tpu.memory_space<hbm>>) target(%arg5 : memref<16x2048xf32, #tpu.memory_space<vmem>>) target_semaphore(%dma_start3A_17 : memref<!tpu.dma_semaphore, #tpu.memory_space<semaphore_mem>>)
    %add3A_20 = arith.constant 0 : i32
    %add3A_21 = arith.addi %mul3A_2, %add3A_20 : i32
    %dma_wait3A = arith.constant 0 : i32
    %dma_wait3A_22 = arith.constant 0 : i32
    %dma_wait3A_23 = tpu.memref_slice %arg2[%add3A_21, %dma_wait3A_22] : memref<16384x2048xf32, #tpu.memory_space<hbm>> -> memref<16x2048xf32, #tpu.memory_space<hbm>>
    %dma_wait3A_24 = tpu.memref_slice %arg6[%dma_wait3A] : memref<2x!tpu.dma_semaphore, #tpu.memory_space<semaphore_mem>> -> memref<1x!tpu.dma_semaphore, #tpu.memory_space<semaphore_mem>>
    %dma_wait3A_25 = tpu.memref_squeeze %dma_wait3A_24 : memref<1x!tpu.dma_semaphore, #tpu.memory_space<semaphore_mem>> -> memref<!tpu.dma_semaphore, #tpu.memory_space<semaphore_mem>>
    %dma_wait3A_26 = arith.constant 0 : i32
    %dma_wait3A_27 = tpu.memref_slice %arg2[%add3A_21, %dma_wait3A_26] : memref<16384x2048xf32, #tpu.memory_space<hbm>> -> memref<16x2048xf32, #tpu.memory_space<hbm>>
    tpu.wait_dma2 semaphore(%dma_wait3A_25 : memref<!tpu.dma_semaphore, #tpu.memory_space<semaphore_mem>>) src(%dma_wait3A_27 : memref<16x2048xf32, #tpu.memory_space<hbm>>) dst(%arg4 : memref<16x2048xf32, #tpu.memory_space<vmem>>)
    %add3A_28 = arith.constant 0 : i32
    %add3A_29 = arith.addi %mul3A_2, %add3A_28 : i32
    %dma_start3A_30 = arith.constant 0 : i32
    %dma_start3A_31 = arith.constant 0 : i32
    %dma_start3A_32 = tpu.memref_slice %arg3[%add3A_29, %dma_start3A_31] : memref<6144x2048xf32, #tpu.memory_space<hbm>> -> memref<16x2048xf32, #tpu.memory_space<hbm>>
    %dma_start3A_33 = tpu.memref_slice %arg7[%dma_start3A_30] : memref<2x!tpu.dma_semaphore, #tpu.memory_space<semaphore_mem>> -> memref<1x!tpu.dma_semaphore, #tpu.memory_space<semaphore_mem>>
    %dma_start3A_34 = tpu.memref_squeeze %dma_start3A_33 : memref<1x!tpu.dma_semaphore, #tpu.memory_space<semaphore_mem>> -> memref<!tpu.dma_semaphore, #tpu.memory_space<semaphore_mem>>
    %dma_start3A_35 = arith.constant 0 : i32
    %dma_start3A_36 = tpu.memref_slice %arg3[%add3A_29, %dma_start3A_35] : memref<6144x2048xf32, #tpu.memory_space<hbm>> -> memref<16x2048xf32, #tpu.memory_space<hbm>>
    tpu.enqueue_dma source(%arg4 : memref<16x2048xf32, #tpu.memory_space<vmem>>) target(%dma_start3A_36 : memref<16x2048xf32, #tpu.memory_space<hbm>>) target_semaphore(%dma_start3A_34 : memref<!tpu.dma_semaphore, #tpu.memory_space<semaphore_mem>>)
    %add3A_37 = arith.constant 0 : i32
    %add3A_38 = arith.addi %mul3A_2, %add3A_37 : i32
    %dma_wait3A_39 = arith.constant 0 : i32
    %dma_wait3A_40 = arith.constant 0 : i32
    %dma_wait3A_41 = tpu.memref_slice %arg3[%add3A_38, %dma_wait3A_40] : memref<6144x2048xf32, #tpu.memory_space<hbm>> -> memref<16x2048xf32, #tpu.memory_space<hbm>>
    %dma_wait3A_42 = tpu.memref_slice %arg7[%dma_wait3A_39] : memref<2x!tpu.dma_semaphore, #tpu.memory_space<semaphore_mem>> -> memref<1x!tpu.dma_semaphore, #tpu.memory_space<semaphore_mem>>
    %dma_wait3A_43 = tpu.memref_squeeze %dma_wait3A_42 : memref<1x!tpu.dma_semaphore, #tpu.memory_space<semaphore_mem>> -> memref<!tpu.dma_semaphore, #tpu.memory_space<semaphore_mem>>
    %dma_wait3A_44 = arith.constant 0 : i32
    %dma_wait3A_45 = tpu.memref_slice %arg3[%add3A_38, %dma_wait3A_44] : memref<6144x2048xf32, #tpu.memory_space<hbm>> -> memref<16x2048xf32, #tpu.memory_space<hbm>>
    tpu.wait_dma2 semaphore(%dma_wait3A_43 : memref<!tpu.dma_semaphore, #tpu.memory_space<semaphore_mem>>) src(%arg4 : memref<16x2048xf32, #tpu.memory_space<vmem>>) dst(%dma_wait3A_45 : memref<16x2048xf32, #tpu.memory_space<hbm>>)
    %add3A_46 = arith.constant 32 : i32
    %add3A_47 = arith.addi %mul3A_2, %add3A_46 : i32
    %dma_start3A_48 = arith.constant 0 : i32
    %dma_start3A_49 = arith.constant 0 : i32
    %dma_start3A_50 = tpu.memref_slice %arg2[%add3A_47, %dma_start3A_49] : memref<16384x2048xf32, #tpu.memory_space<hbm>> -> memref<16x2048xf32, #tpu.memory_space<hbm>>
    %dma_start3A_51 = tpu.memref_slice %arg6[%dma_start3A_48] : memref<2x!tpu.dma_semaphore, #tpu.memory_space<semaphore_mem>> -> memref<1x!tpu.dma_semaphore, #tpu.memory_space<semaphore_mem>>
    %dma_start3A_52 = tpu.memref_squeeze %dma_start3A_51 : memref<1x!tpu.dma_semaphore, #tpu.memory_space<semaphore_mem>> -> memref<!tpu.dma_semaphore, #tpu.memory_space<semaphore_mem>>
    %dma_start3A_53 = arith.constant 0 : i32
    %dma_start3A_54 = tpu.memref_slice %arg2[%add3A_47, %dma_start3A_53] : memref<16384x2048xf32, #tpu.memory_space<hbm>> -> memref<16x2048xf32, #tpu.memory_space<hbm>>
    tpu.enqueue_dma source(%dma_start3A_54 : memref<16x2048xf32, #tpu.memory_space<hbm>>) target(%arg4 : memref<16x2048xf32, #tpu.memory_space<vmem>>) target_semaphore(%dma_start3A_52 : memref<!tpu.dma_semaphore, #tpu.memory_space<semaphore_mem>>)
    %add3A_55 = arith.constant 16 : i32
    %add3A_56 = arith.addi %mul3A_2, %add3A_55 : i32
    %dma_wait3A_57 = arith.constant 1 : i32
    %dma_wait3A_58 = arith.constant 0 : i32
    %dma_wait3A_59 = tpu.memref_slice %arg2[%add3A_56, %dma_wait3A_58] : memref<16384x2048xf32, #tpu.memory_space<hbm>> -> memref<16x2048xf32, #tpu.memory_space<hbm>>
    %dma_wait3A_60 = tpu.memref_slice %arg6[%dma_wait3A_57] : memref<2x!tpu.dma_semaphore, #tpu.memory_space<semaphore_mem>> -> memref<1x!tpu.dma_semaphore, #tpu.memory_space<semaphore_mem>>
    %dma_wait3A_61 = tpu.memref_squeeze %dma_wait3A_60 : memref<1x!tpu.dma_semaphore, #tpu.memory_space<semaphore_mem>> -> memref<!tpu.dma_semaphore, #tpu.memory_space<semaphore_mem>>
    %dma_wait3A_62 = arith.constant 0 : i32
    %dma_wait3A_63 = tpu.memref_slice %arg2[%add3A_56, %dma_wait3A_62] : memref<16384x2048xf32, #tpu.memory_space<hbm>> -> memref<16x2048xf32, #tpu.memory_space<hbm>>
    tpu.wait_dma2 semaphore(%dma_wait3A_61 : memref<!tpu.dma_semaphore, #tpu.memory_space<semaphore_mem>>) src(%dma_wait3A_63 : memref<16x2048xf32, #tpu.memory_space<hbm>>) dst(%arg5 : memref<16x2048xf32, #tpu.memory_space<vmem>>)
    %add3A_64 = arith.constant 16 : i32
    %add3A_65 = arith.addi %mul3A_2, %add3A_64 : i32
    %dma_start3A_66 = arith.constant 1 : i32
    %dma_start3A_67 = arith.constant 0 : i32
    %dma_start3A_68 = tpu.memref_slice %arg3[%add3A_65, %dma_start3A_67] : memref<6144x2048xf32, #tpu.memory_space<hbm>> -> memref<16x2048xf32, #tpu.memory_space<hbm>>
    %dma_start3A_69 = tpu.memref_slice %arg7[%dma_start3A_66] : memref<2x!tpu.dma_semaphore, #tpu.memory_space<semaphore_mem>> -> memref<1x!tpu.dma_semaphore, #tpu.memory_space<semaphore_mem>>
    %dma_start3A_70 = tpu.memref_squeeze %dma_start3A_69 : memref<1x!tpu.dma_semaphore, #tpu.memory_space<semaphore_mem>> -> memref<!tpu.dma_semaphore, #tpu.memory_space<semaphore_mem>>
    %dma_start3A_71 = arith.constant 0 : i32
    %dma_start3A_72 = tpu.memref_slice %arg3[%add3A_65, %dma_start3A_71] : memref<6144x2048xf32, #tpu.memory_space<hbm>> -> memref<16x2048xf32, #tpu.memory_space<hbm>>
    tpu.enqueue_dma source(%arg5 : memref<16x2048xf32, #tpu.memory_space<vmem>>) target(%dma_start3A_72 : memref<16x2048xf32, #tpu.memory_space<hbm>>) target_semaphore(%dma_start3A_70 : memref<!tpu.dma_semaphore, #tpu.memory_space<semaphore_mem>>)
    %add3A_73 = arith.constant 16 : i32
    %add3A_74 = arith.addi %mul3A_2, %add3A_73 : i32
    %dma_wait3A_75 = arith.constant 1 : i32
    %dma_wait3A_76 = arith.constant 0 : i32
    %dma_wait3A_77 = tpu.memref_slice %arg3[%add3A_74, %dma_wait3A_76] : memref<6144x2048xf32, #tpu.memory_space<hbm>> -> memref<16x2048xf32, #tpu.memory_space<hbm>>
    %dma_wait3A_78 = tpu.memref_slice %arg7[%dma_wait3A_75] : memref<2x!tpu.dma_semaphore, #tpu.memory_space<semaphore_mem>> -> memref<1x!tpu.dma_semaphore, #tpu.memory_space<semaphore_mem>>
    %dma_wait3A_79 = tpu.memref_squeeze %dma_wait3A_78 : memref<1x!tpu.dma_semaphore, #tpu.memory_space<semaphore_mem>> -> memref<!tpu.dma_semaphore, #tpu.memory_space<semaphore_mem>>
    %dma_wait3A_80 = arith.constant 0 : i32
    %dma_wait3A_81 = tpu.memref_slice %arg3[%add3A_74, %dma_wait3A_80] : memref<6144x2048xf32, #tpu.memory_space<hbm>> -> memref<16x2048xf32, #tpu.memory_space<hbm>>
    tpu.wait_dma2 semaphore(%dma_wait3A_79 : memref<!tpu.dma_semaphore, #tpu.memory_space<semaphore_mem>>) src(%arg5 : memref<16x2048xf32, #tpu.memory_space<vmem>>) dst(%dma_wait3A_81 : memref<16x2048xf32, #tpu.memory_space<hbm>>)
    %add3A_82 = arith.constant 48 : i32
    %add3A_83 = arith.addi %mul3A_2, %add3A_82 : i32
    %dma_start3A_84 = arith.constant 1 : i32
    %dma_start3A_85 = arith.constant 0 : i32
    %dma_start3A_86 = tpu.memref_slice %arg2[%add3A_83, %dma_start3A_85] : memref<16384x2048xf32, #tpu.memory_space<hbm>> -> memref<16x2048xf32, #tpu.memory_space<hbm>>
    %dma_start3A_87 = tpu.memref_slice %arg6[%dma_start3A_84] : memref<2x!tpu.dma_semaphore, #tpu.memory_space<semaphore_mem>> -> memref<1x!tpu.dma_semaphore, #tpu.memory_space<semaphore_mem>>
    %dma_start3A_88 = tpu.memref_squeeze %dma_start3A_87 : memref<1x!tpu.dma_semaphore, #tpu.memory_space<semaphore_mem>> -> memref<!tpu.dma_semaphore, #tpu.memory_space<semaphore_mem>>
    %dma_start3A_89 = arith.constant 0 : i32
    %dma_start3A_90 = tpu.memref_slice %arg2[%add3A_83, %dma_start3A_89] : memref<16384x2048xf32, #tpu.memory_space<hbm>> -> memref<16x2048xf32, #tpu.memory_space<hbm>>
    tpu.enqueue_dma source(%dma_start3A_90 : memref<16x2048xf32, #tpu.memory_space<hbm>>) target(%arg5 : memref<16x2048xf32, #tpu.memory_space<vmem>>) target_semaphore(%dma_start3A_88 : memref<!tpu.dma_semaphore, #tpu.memory_space<semaphore_mem>>)
    %add3A_91 = arith.constant 32 : i32
    %add3A_92 = arith.addi %mul3A_2, %add3A_91 : i32
    %dma_wait3A_93 = arith.constant 0 : i32
    %dma_wait3A_94 = arith.constant 0 : i32
    %dma_wait3A_95 = tpu.memref_slice %arg2[%add3A_92, %dma_wait3A_94] : memref<16384x2048xf32, #tpu.memory_space<hbm>> -> memref<16x2048xf32, #tpu.memory_space<hbm>>
    %dma_wait3A_96 = tpu.memref_slice %arg6[%dma_wait3A_93] : memref<2x!tpu.dma_semaphore, #tpu.memory_space<semaphore_mem>> -> memref<1x!tpu.dma_semaphore, #tpu.memory_space<semaphore_mem>>
    %dma_wait3A_97 = tpu.memref_squeeze %dma_wait3A_96 : memref<1x!tpu.dma_semaphore, #tpu.memory_space<semaphore_mem>> -> memref<!tpu.dma_semaphore, #tpu.memory_space<semaphore_mem>>
    %dma_wait3A_98 = arith.constant 0 : i32
    %dma_wait3A_99 = tpu.memref_slice %arg2[%add3A_92, %dma_wait3A_98] : memref<16384x2048xf32, #tpu.memory_space<hbm>> -> memref<16x2048xf32, #tpu.memory_space<hbm>>
    tpu.wait_dma2 semaphore(%dma_wait3A_97 : memref<!tpu.dma_semaphore, #tpu.memory_space<semaphore_mem>>) src(%dma_wait3A_99 : memref<16x2048xf32, #tpu.memory_space<hbm>>) dst(%arg4 : memref<16x2048xf32, #tpu.memory_space<vmem>>)
    %add3A_100 = arith.constant 32 : i32
    %add3A_101 = arith.addi %mul3A_2, %add3A_100 : i32
    %dma_start3A_102 = arith.constant 0 : i32
    %dma_start3A_103 = arith.constant 0 : i32
    %dma_start3A_104 = tpu.memref_slice %arg3[%add3A_101, %dma_start3A_103] : memref<6144x2048xf32, #tpu.memory_space<hbm>> -> memref<16x2048xf32, #tpu.memory_space<hbm>>
    %dma_start3A_105 = tpu.memref_slice %arg7[%dma_start3A_102] : memref<2x!tpu.dma_semaphore, #tpu.memory_space<semaphore_mem>> -> memref<1x!tpu.dma_semaphore, #tpu.memory_space<semaphore_mem>>
    %dma_start3A_106 = tpu.memref_squeeze %dma_start3A_105 : memref<1x!tpu.dma_semaphore, #tpu.memory_space<semaphore_mem>> -> memref<!tpu.dma_semaphore, #tpu.memory_space<semaphore_mem>>
    %dma_start3A_107 = arith.constant 0 : i32
    %dma_start3A_108 = tpu.memref_slice %arg3[%add3A_101, %dma_start3A_107] : memref<6144x2048xf32, #tpu.memory_space<hbm>> -> memref<16x2048xf32, #tpu.memory_space<hbm>>
    tpu.enqueue_dma source(%arg4 : memref<16x2048xf32, #tpu.memory_space<vmem>>) target(%dma_start3A_108 : memref<16x2048xf32, #tpu.memory_space<hbm>>) target_semaphore(%dma_start3A_106 : memref<!tpu.dma_semaphore, #tpu.memory_space<semaphore_mem>>)
    %add3A_109 = arith.constant 32 : i32
    %add3A_110 = arith.addi %mul3A_2, %add3A_109 : i32
    %dma_wait3A_111 = arith.constant 0 : i32
    %dma_wait3A_112 = arith.constant 0 : i32
    %dma_wait3A_113 = tpu.memref_slice %arg3[%add3A_110, %dma_wait3A_112] : memref<6144x2048xf32, #tpu.memory_space<hbm>> -> memref<16x2048xf32, #tpu.memory_space<hbm>>
    %dma_wait3A_114 = tpu.memref_slice %arg7[%dma_wait3A_111] : memref<2x!tpu.dma_semaphore, #tpu.memory_space<semaphore_mem>> -> memref<1x!tpu.dma_semaphore, #tpu.memory_space<semaphore_mem>>
    %dma_wait3A_115 = tpu.memref_squeeze %dma_wait3A_114 : memref<1x!tpu.dma_semaphore, #tpu.memory_space<semaphore_mem>> -> memref<!tpu.dma_semaphore, #tpu.memory_space<semaphore_mem>>
    %dma_wait3A_116 = arith.constant 0 : i32
    %dma_wait3A_117 = tpu.memref_slice %arg3[%add3A_110, %dma_wait3A_116] : memref<6144x2048xf32, #tpu.memory_space<hbm>> -> memref<16x2048xf32, #tpu.memory_space<hbm>>
    tpu.wait_dma2 semaphore(%dma_wait3A_115 : memref<!tpu.dma_semaphore, #tpu.memory_space<semaphore_mem>>) src(%arg4 : memref<16x2048xf32, #tpu.memory_space<vmem>>) dst(%dma_wait3A_117 : memref<16x2048xf32, #tpu.memory_space<hbm>>)
    %add3A_118 = arith.constant 64 : i32
    %add3A_119 = arith.addi %mul3A_2, %add3A_118 : i32
    %dma_start3A_120 = arith.constant 0 : i32
    %dma_start3A_121 = arith.constant 0 : i32
    %dma_start3A_122 = tpu.memref_slice %arg2[%add3A_119, %dma_start3A_121] : memref<16384x2048xf32, #tpu.memory_space<hbm>> -> memref<16x2048xf32, #tpu.memory_space<hbm>>
    %dma_start3A_123 = tpu.memref_slice %arg6[%dma_start3A_120] : memref<2x!tpu.dma_semaphore, #tpu.memory_space<semaphore_mem>> -> memref<1x!tpu.dma_semaphore, #tpu.memory_space<semaphore_mem>>
    %dma_start3A_124 = tpu.memref_squeeze %dma_start3A_123 : memref<1x!tpu.dma_semaphore, #tpu.memory_space<semaphore_mem>> -> memref<!tpu.dma_semaphore, #tpu.memory_space<semaphore_mem>>
    %dma_start3A_125 = arith.constant 0 : i32
    %dma_start3A_126 = tpu.memref_slice %arg2[%add3A_119, %dma_start3A_125] : memref<16384x2048xf32, #tpu.memory_space<hbm>> -> memref<16x2048xf32, #tpu.memory_space<hbm>>
    tpu.enqueue_dma source(%dma_start3A_126 : memref<16x2048xf32, #tpu.memory_space<hbm>>) target(%arg4 : memref<16x2048xf32, #tpu.memory_space<vmem>>) target_semaphore(%dma_start3A_124 : memref<!tpu.dma_semaphore, #tpu.memory_space<semaphore_mem>>)
    %add3A_127 = arith.constant 48 : i32
    %add3A_128 = arith.addi %mul3A_2, %add3A_127 : i32
    %dma_wait3A_129 = arith.constant 1 : i32
    %dma_wait3A_130 = arith.constant 0 : i32
    %dma_wait3A_131 = tpu.memref_slice %arg2[%add3A_128, %dma_wait3A_130] : memref<16384x2048xf32, #tpu.memory_space<hbm>> -> memref<16x2048xf32, #tpu.memory_space<hbm>>
    %dma_wait3A_132 = tpu.memref_slice %arg6[%dma_wait3A_129] : memref<2x!tpu.dma_semaphore, #tpu.memory_space<semaphore_mem>> -> memref<1x!tpu.dma_semaphore, #tpu.memory_space<semaphore_mem>>
    %dma_wait3A_133 = tpu.memref_squeeze %dma_wait3A_132 : memref<1x!tpu.dma_semaphore, #tpu.memory_space<semaphore_mem>> -> memref<!tpu.dma_semaphore, #tpu.memory_space<semaphore_mem>>
    %dma_wait3A_134 = arith.constant 0 : i32
    %dma_wait3A_135 = tpu.memref_slice %arg2[%add3A_128, %dma_wait3A_134] : memref<16384x2048xf32, #tpu.memory_space<hbm>> -> memref<16x2048xf32, #tpu.memory_space<hbm>>
    tpu.wait_dma2 semaphore(%dma_wait3A_133 : memref<!tpu.dma_semaphore, #tpu.memory_space<semaphore_mem>>) src(%dma_wait3A_135 : memref<16x2048xf32, #tpu.memory_space<hbm>>) dst(%arg5 : memref<16x2048xf32, #tpu.memory_space<vmem>>)
    %add3A_136 = arith.constant 48 : i32
    %add3A_137 = arith.addi %mul3A_2, %add3A_136 : i32
    %dma_start3A_138 = arith.constant 1 : i32
    %dma_start3A_139 = arith.constant 0 : i32
    %dma_start3A_140 = tpu.memref_slice %arg3[%add3A_137, %dma_start3A_139] : memref<6144x2048xf32, #tpu.memory_space<hbm>> -> memref<16x2048xf32, #tpu.memory_space<hbm>>
    %dma_start3A_141 = tpu.memref_slice %arg7[%dma_start3A_138] : memref<2x!tpu.dma_semaphore, #tpu.memory_space<semaphore_mem>> -> memref<1x!tpu.dma_semaphore, #tpu.memory_space<semaphore_mem>>
    %dma_start3A_142 = tpu.memref_squeeze %dma_start3A_141 : memref<1x!tpu.dma_semaphore, #tpu.memory_space<semaphore_mem>> -> memref<!tpu.dma_semaphore, #tpu.memory_space<semaphore_mem>>
    %dma_start3A_143 = arith.constant 0 : i32
    %dma_start3A_144 = tpu.memref_slice %arg3[%add3A_137, %dma_start3A_143] : memref<6144x2048xf32, #tpu.memory_space<hbm>> -> memref<16x2048xf32, #tpu.memory_space<hbm>>
    tpu.enqueue_dma source(%arg5 : memref<16x2048xf32, #tpu.memory_space<vmem>>) target(%dma_start3A_144 : memref<16x2048xf32, #tpu.memory_space<hbm>>) target_semaphore(%dma_start3A_142 : memref<!tpu.dma_semaphore, #tpu.memory_space<semaphore_mem>>)
    %add3A_145 = arith.constant 48 : i32
    %add3A_146 = arith.addi %mul3A_2, %add3A_145 : i32
    %dma_wait3A_147 = arith.constant 1 : i32
    %dma_wait3A_148 = arith.constant 0 : i32
    %dma_wait3A_149 = tpu.memref_slice %arg3[%add3A_146, %dma_wait3A_148] : memref<6144x2048xf32, #tpu.memory_space<hbm>> -> memref<16x2048xf32, #tpu.memory_space<hbm>>
    %dma_wait3A_150 = tpu.memref_slice %arg7[%dma_wait3A_147] : memref<2x!tpu.dma_semaphore, #tpu.memory_space<semaphore_mem>> -> memref<1x!tpu.dma_semaphore, #tpu.memory_space<semaphore_mem>>
    %dma_wait3A_151 = tpu.memref_squeeze %dma_wait3A_150 : memref<1x!tpu.dma_semaphore, #tpu.memory_space<semaphore_mem>> -> memref<!tpu.dma_semaphore, #tpu.memory_space<semaphore_mem>>
    %dma_wait3A_152 = arith.constant 0 : i32
    %dma_wait3A_153 = tpu.memref_slice %arg3[%add3A_146, %dma_wait3A_152] : memref<6144x2048xf32, #tpu.memory_space<hbm>> -> memref<16x2048xf32, #tpu.memory_space<hbm>>
    tpu.wait_dma2 semaphore(%dma_wait3A_151 : memref<!tpu.dma_semaphore, #tpu.memory_space<semaphore_mem>>) src(%arg5 : memref<16x2048xf32, #tpu.memory_space<vmem>>) dst(%dma_wait3A_153 : memref<16x2048xf32, #tpu.memory_space<hbm>>)
    %add3A_154 = arith.constant 80 : i32
    %add3A_155 = arith.addi %mul3A_2, %add3A_154 : i32
    %dma_start3A_156 = arith.constant 1 : i32
    %dma_start3A_157 = arith.constant 0 : i32
    %dma_start3A_158 = tpu.memref_slice %arg2[%add3A_155, %dma_start3A_157] : memref<16384x2048xf32, #tpu.memory_space<hbm>> -> memref<16x2048xf32, #tpu.memory_space<hbm>>
    %dma_start3A_159 = tpu.memref_slice %arg6[%dma_start3A_156] : memref<2x!tpu.dma_semaphore, #tpu.memory_space<semaphore_mem>> -> memref<1x!tpu.dma_semaphore, #tpu.memory_space<semaphore_mem>>
    %dma_start3A_160 = tpu.memref_squeeze %dma_start3A_159 : memref<1x!tpu.dma_semaphore, #tpu.memory_space<semaphore_mem>> -> memref<!tpu.dma_semaphore, #tpu.memory_space<semaphore_mem>>
    %dma_start3A_161 = arith.constant 0 : i32
    %dma_start3A_162 = tpu.memref_slice %arg2[%add3A_155, %dma_start3A_161] : memref<16384x2048xf32, #tpu.memory_space<hbm>> -> memref<16x2048xf32, #tpu.memory_space<hbm>>
    tpu.enqueue_dma source(%dma_start3A_162 : memref<16x2048xf32, #tpu.memory_space<hbm>>) target(%arg5 : memref<16x2048xf32, #tpu.memory_space<vmem>>) target_semaphore(%dma_start3A_160 : memref<!tpu.dma_semaphore, #tpu.memory_space<semaphore_mem>>)
    %add3A_163 = arith.constant 64 : i32
    %add3A_164 = arith.addi %mul3A_2, %add3A_163 : i32
    %dma_wait3A_165 = arith.constant 0 : i32
    %dma_wait3A_166 = arith.constant 0 : i32
    %dma_wait3A_167 = tpu.memref_slice %arg2[%add3A_164, %dma_wait3A_166] : memref<16384x2048xf32, #tpu.memory_space<hbm>> -> memref<16x2048xf32, #tpu.memory_space<hbm>>
    %dma_wait3A_168 = tpu.memref_slice %arg6[%dma_wait3A_165] : memref<2x!tpu.dma_semaphore, #tpu.memory_space<semaphore_mem>> -> memref<1x!tpu.dma_semaphore, #tpu.memory_space<semaphore_mem>>
    %dma_wait3A_169 = tpu.memref_squeeze %dma_wait3A_168 : memref<1x!tpu.dma_semaphore, #tpu.memory_space<semaphore_mem>> -> memref<!tpu.dma_semaphore, #tpu.memory_space<semaphore_mem>>
    %dma_wait3A_170 = arith.constant 0 : i32
    %dma_wait3A_171 = tpu.memref_slice %arg2[%add3A_164, %dma_wait3A_170] : memref<16384x2048xf32, #tpu.memory_space<hbm>> -> memref<16x2048xf32, #tpu.memory_space<hbm>>
    tpu.wait_dma2 semaphore(%dma_wait3A_169 : memref<!tpu.dma_semaphore, #tpu.memory_space<semaphore_mem>>) src(%dma_wait3A_171 : memref<16x2048xf32, #tpu.memory_space<hbm>>) dst(%arg4 : memref<16x2048xf32, #tpu.memory_space<vmem>>)
    %add3A_172 = arith.constant 64 : i32
    %add3A_173 = arith.addi %mul3A_2, %add3A_172 : i32
    %dma_start3A_174 = arith.constant 0 : i32
    %dma_start3A_175 = arith.constant 0 : i32
    %dma_start3A_176 = tpu.memref_slice %arg3[%add3A_173, %dma_start3A_175] : memref<6144x2048xf32, #tpu.memory_space<hbm>> -> memref<16x2048xf32, #tpu.memory_space<hbm>>
    %dma_start3A_177 = tpu.memref_slice %arg7[%dma_start3A_174] : memref<2x!tpu.dma_semaphore, #tpu.memory_space<semaphore_mem>> -> memref<1x!tpu.dma_semaphore, #tpu.memory_space<semaphore_mem>>
    %dma_start3A_178 = tpu.memref_squeeze %dma_start3A_177 : memref<1x!tpu.dma_semaphore, #tpu.memory_space<semaphore_mem>> -> memref<!tpu.dma_semaphore, #tpu.memory_space<semaphore_mem>>
    %dma_start3A_179 = arith.constant 0 : i32
    %dma_start3A_180 = tpu.memref_slice %arg3[%add3A_173, %dma_start3A_179] : memref<6144x2048xf32, #tpu.memory_space<hbm>> -> memref<16x2048xf32, #tpu.memory_space<hbm>>
    tpu.enqueue_dma source(%arg4 : memref<16x2048xf32, #tpu.memory_space<vmem>>) target(%dma_start3A_180 : memref<16x2048xf32, #tpu.memory_space<hbm>>) target_semaphore(%dma_start3A_178 : memref<!tpu.dma_semaphore, #tpu.memory_space<semaphore_mem>>)
    %add3A_181 = arith.constant 64 : i32
    %add3A_182 = arith.addi %mul3A_2, %add3A_181 : i32
    %dma_wait3A_183 = arith.constant 0 : i32
    %dma_wait3A_184 = arith.constant 0 : i32
    %dma_wait3A_185 = tpu.memref_slice %arg3[%add3A_182, %dma_wait3A_184] : memref<6144x2048xf32, #tpu.memory_space<hbm>> -> memref<16x2048xf32, #tpu.memory_space<hbm>>
    %dma_wait3A_186 = tpu.memref_slice %arg7[%dma_wait3A_183] : memref<2x!tpu.dma_semaphore, #tpu.memory_space<semaphore_mem>> -> memref<1x!tpu.dma_semaphore, #tpu.memory_space<semaphore_mem>>
    %dma_wait3A_187 = tpu.memref_squeeze %dma_wait3A_186 : memref<1x!tpu.dma_semaphore, #tpu.memory_space<semaphore_mem>> -> memref<!tpu.dma_semaphore, #tpu.memory_space<semaphore_mem>>
    %dma_wait3A_188 = arith.constant 0 : i32
    %dma_wait3A_189 = tpu.memref_slice %arg3[%add3A_182, %dma_wait3A_188] : memref<6144x2048xf32, #tpu.memory_space<hbm>> -> memref<16x2048xf32, #tpu.memory_space<hbm>>
    tpu.wait_dma2 semaphore(%dma_wait3A_187 : memref<!tpu.dma_semaphore, #tpu.memory_space<semaphore_mem>>) src(%arg4 : memref<16x2048xf32, #tpu.memory_space<vmem>>) dst(%dma_wait3A_189 : memref<16x2048xf32, #tpu.memory_space<hbm>>)
    %add3A_190 = arith.constant 96 : i32
    %add3A_191 = arith.addi %mul3A_2, %add3A_190 : i32
    %dma_start3A_192 = arith.constant 0 : i32
    %dma_start3A_193 = arith.constant 0 : i32
    %dma_start3A_194 = tpu.memref_slice %arg2[%add3A_191, %dma_start3A_193] : memref<16384x2048xf32, #tpu.memory_space<hbm>> -> memref<16x2048xf32, #tpu.memory_space<hbm>>
    %dma_start3A_195 = tpu.memref_slice %arg6[%dma_start3A_192] : memref<2x!tpu.dma_semaphore, #tpu.memory_space<semaphore_mem>> -> memref<1x!tpu.dma_semaphore, #tpu.memory_space<semaphore_mem>>
    %dma_start3A_196 = tpu.memref_squeeze %dma_start3A_195 : memref<1x!tpu.dma_semaphore, #tpu.memory_space<semaphore_mem>> -> memref<!tpu.dma_semaphore, #tpu.memory_space<semaphore_mem>>
    %dma_start3A_197 = arith.constant 0 : i32
    %dma_start3A_198 = tpu.memref_slice %arg2[%add3A_191, %dma_start3A_197] : memref<16384x2048xf32, #tpu.memory_space<hbm>> -> memref<16x2048xf32, #tpu.memory_space<hbm>>
    tpu.enqueue_dma source(%dma_start3A_198 : memref<16x2048xf32, #tpu.memory_space<hbm>>) target(%arg4 : memref<16x2048xf32, #tpu.memory_space<vmem>>) target_semaphore(%dma_start3A_196 : memref<!tpu.dma_semaphore, #tpu.memory_space<semaphore_mem>>)
    %add3A_199 = arith.constant 80 : i32
    %add3A_200 = arith.addi %mul3A_2, %add3A_199 : i32
    %dma_wait3A_201 = arith.constant 1 : i32
    %dma_wait3A_202 = arith.constant 0 : i32
    %dma_wait3A_203 = tpu.memref_slice %arg2[%add3A_200, %dma_wait3A_202] : memref<16384x2048xf32, #tpu.memory_space<hbm>> -> memref<16x2048xf32, #tpu.memory_space<hbm>>
    %dma_wait3A_204 = tpu.memref_slice %arg6[%dma_wait3A_201] : memref<2x!tpu.dma_semaphore, #tpu.memory_space<semaphore_mem>> -> memref<1x!tpu.dma_semaphore, #tpu.memory_space<semaphore_mem>>
    %dma_wait3A_205 = tpu.memref_squeeze %dma_wait3A_204 : memref<1x!tpu.dma_semaphore, #tpu.memory_space<semaphore_mem>> -> memref<!tpu.dma_semaphore, #tpu.memory_space<semaphore_mem>>
    %dma_wait3A_206 = arith.constant 0 : i32
    %dma_wait3A_207 = tpu.memref_slice %arg2[%add3A_200, %dma_wait3A_206] : memref<16384x2048xf32, #tpu.memory_space<hbm>> -> memref<16x2048xf32, #tpu.memory_space<hbm>>
    tpu.wait_dma2 semaphore(%dma_wait3A_205 : memref<!tpu.dma_semaphore, #tpu.memory_space<semaphore_mem>>) src(%dma_wait3A_207 : memref<16x2048xf32, #tpu.memory_space<hbm>>) dst(%arg5 : memref<16x2048xf32, #tpu.memory_space<vmem>>)
    %add3A_208 = arith.constant 80 : i32
    %add3A_209 = arith.addi %mul3A_2, %add3A_208 : i32
    %dma_start3A_210 = arith.constant 1 : i32
    %dma_start3A_211 = arith.constant 0 : i32
    %dma_start3A_212 = tpu.memref_slice %arg3[%add3A_209, %dma_start3A_211] : memref<6144x2048xf32, #tpu.memory_space<hbm>> -> memref<16x2048xf32, #tpu.memory_space<hbm>>
    %dma_start3A_213 = tpu.memref_slice %arg7[%dma_start3A_210] : memref<2x!tpu.dma_semaphore, #tpu.memory_space<semaphore_mem>> -> memref<1x!tpu.dma_semaphore, #tpu.memory_space<semaphore_mem>>
    %dma_start3A_214 = tpu.memref_squeeze %dma_start3A_213 : memref<1x!tpu.dma_semaphore, #tpu.memory_space<semaphore_mem>> -> memref<!tpu.dma_semaphore, #tpu.memory_space<semaphore_mem>>
    %dma_start3A_215 = arith.constant 0 : i32
    %dma_start3A_216 = tpu.memref_slice %arg3[%add3A_209, %dma_start3A_215] : memref<6144x2048xf32, #tpu.memory_space<hbm>> -> memref<16x2048xf32, #tpu.memory_space<hbm>>
    tpu.enqueue_dma source(%arg5 : memref<16x2048xf32, #tpu.memory_space<vmem>>) target(%dma_start3A_216 : memref<16x2048xf32, #tpu.memory_space<hbm>>) target_semaphore(%dma_start3A_214 : memref<!tpu.dma_semaphore, #tpu.memory_space<semaphore_mem>>)
    %add3A_217 = arith.constant 80 : i32
    %add3A_218 = arith.addi %mul3A_2, %add3A_217 : i32
    %dma_wait3A_219 = arith.constant 1 : i32
    %dma_wait3A_220 = arith.constant 0 : i32
    %dma_wait3A_221 = tpu.memref_slice %arg3[%add3A_218, %dma_wait3A_220] : memref<6144x2048xf32, #tpu.memory_space<hbm>> -> memref<16x2048xf32, #tpu.memory_space<hbm>>
    %dma_wait3A_222 = tpu.memref_slice %arg7[%dma_wait3A_219] : memref<2x!tpu.dma_semaphore, #tpu.memory_space<semaphore_mem>> -> memref<1x!tpu.dma_semaphore, #tpu.memory_space<semaphore_mem>>
    %dma_wait3A_223 = tpu.memref_squeeze %dma_wait3A_222 : memref<1x!tpu.dma_semaphore, #tpu.memory_space<semaphore_mem>> -> memref<!tpu.dma_semaphore, #tpu.memory_space<semaphore_mem>>
    %dma_wait3A_224 = arith.constant 0 : i32
    %dma_wait3A_225 = tpu.memref_slice %arg3[%add3A_218, %dma_wait3A_224] : memref<6144x2048xf32, #tpu.memory_space<hbm>> -> memref<16x2048xf32, #tpu.memory_space<hbm>>
    tpu.wait_dma2 semaphore(%dma_wait3A_223 : memref<!tpu.dma_semaphore, #tpu.memory_space<semaphore_mem>>) src(%arg5 : memref<16x2048xf32, #tpu.memory_space<vmem>>) dst(%dma_wait3A_225 : memref<16x2048xf32, #tpu.memory_space<hbm>>)
    %add3A_226 = arith.constant 112 : i32
    %add3A_227 = arith.addi %mul3A_2, %add3A_226 : i32
    %dma_start3A_228 = arith.constant 1 : i32
    %dma_start3A_229 = arith.constant 0 : i32
    %dma_start3A_230 = tpu.memref_slice %arg2[%add3A_227, %dma_start3A_229] : memref<16384x2048xf32, #tpu.memory_space<hbm>> -> memref<16x2048xf32, #tpu.memory_space<hbm>>
    %dma_start3A_231 = tpu.memref_slice %arg6[%dma_start3A_228] : memref<2x!tpu.dma_semaphore, #tpu.memory_space<semaphore_mem>> -> memref<1x!tpu.dma_semaphore, #tpu.memory_space<semaphore_mem>>
    %dma_start3A_232 = tpu.memref_squeeze %dma_start3A_231 : memref<1x!tpu.dma_semaphore, #tpu.memory_space<semaphore_mem>> -> memref<!tpu.dma_semaphore, #tpu.memory_space<semaphore_mem>>
    %dma_start3A_233 = arith.constant 0 : i32
    %dma_start3A_234 = tpu.memref_slice %arg2[%add3A_227, %dma_start3A_233] : memref<16384x2048xf32, #tpu.memory_space<hbm>> -> memref<16x2048xf32, #tpu.memory_space<hbm>>
    tpu.enqueue_dma source(%dma_start3A_234 : memref<16x2048xf32, #tpu.memory_space<hbm>>) target(%arg5 : memref<16x2048xf32, #tpu.memory_space<vmem>>) target_semaphore(%dma_start3A_232 : memref<!tpu.dma_semaphore, #tpu.memory_space<semaphore_mem>>)
    %add3A_235 = arith.constant 96 : i32
    %add3A_236 = arith.addi %mul3A_2, %add3A_235 : i32
    %dma_wait3A_237 = arith.constant 0 : i32
    %dma_wait3A_238 = arith.constant 0 : i32
    %dma_wait3A_239 = tpu.memref_slice %arg2[%add3A_236, %dma_wait3A_238] : memref<16384x2048xf32, #tpu.memory_space<hbm>> -> memref<16x2048xf32, #tpu.memory_space<hbm>>
    %dma_wait3A_240 = tpu.memref_slice %arg6[%dma_wait3A_237] : memref<2x!tpu.dma_semaphore, #tpu.memory_space<semaphore_mem>> -> memref<1x!tpu.dma_semaphore, #tpu.memory_space<semaphore_mem>>
    %dma_wait3A_241 = tpu.memref_squeeze %dma_wait3A_240 : memref<1x!tpu.dma_semaphore, #tpu.memory_space<semaphore_mem>> -> memref<!tpu.dma_semaphore, #tpu.memory_space<semaphore_mem>>
    %dma_wait3A_242 = arith.constant 0 : i32
    %dma_wait3A_243 = tpu.memref_slice %arg2[%add3A_236, %dma_wait3A_242] : memref<16384x2048xf32, #tpu.memory_space<hbm>> -> memref<16x2048xf32, #tpu.memory_space<hbm>>
    tpu.wait_dma2 semaphore(%dma_wait3A_241 : memref<!tpu.dma_semaphore, #tpu.memory_space<semaphore_mem>>) src(%dma_wait3A_243 : memref<16x2048xf32, #tpu.memory_space<hbm>>) dst(%arg4 : memref<16x2048xf32, #tpu.memory_space<vmem>>)
    %add3A_244 = arith.constant 96 : i32
    %add3A_245 = arith.addi %mul3A_2, %add3A_244 : i32
    %dma_start3A_246 = arith.constant 0 : i32
    %dma_start3A_247 = arith.constant 0 : i32
    %dma_start3A_248 = tpu.memref_slice %arg3[%add3A_245, %dma_start3A_247] : memref<6144x2048xf32, #tpu.memory_space<hbm>> -> memref<16x2048xf32, #tpu.memory_space<hbm>>
    %dma_start3A_249 = tpu.memref_slice %arg7[%dma_start3A_246] : memref<2x!tpu.dma_semaphore, #tpu.memory_space<semaphore_mem>> -> memref<1x!tpu.dma_semaphore, #tpu.memory_space<semaphore_mem>>
    %dma_start3A_250 = tpu.memref_squeeze %dma_start3A_249 : memref<1x!tpu.dma_semaphore, #tpu.memory_space<semaphore_mem>> -> memref<!tpu.dma_semaphore, #tpu.memory_space<semaphore_mem>>
    %dma_start3A_251 = arith.constant 0 : i32
    %dma_start3A_252 = tpu.memref_slice %arg3[%add3A_245, %dma_start3A_251] : memref<6144x2048xf32, #tpu.memory_space<hbm>> -> memref<16x2048xf32, #tpu.memory_space<hbm>>
    tpu.enqueue_dma source(%arg4 : memref<16x2048xf32, #tpu.memory_space<vmem>>) target(%dma_start3A_252 : memref<16x2048xf32, #tpu.memory_space<hbm>>) target_semaphore(%dma_start3A_250 : memref<!tpu.dma_semaphore, #tpu.memory_space<semaphore_mem>>)
    %add3A_253 = arith.constant 96 : i32
    %add3A_254 = arith.addi %mul3A_2, %add3A_253 : i32
    %dma_wait3A_255 = arith.constant 0 : i32
    %dma_wait3A_256 = arith.constant 0 : i32
    %dma_wait3A_257 = tpu.memref_slice %arg3[%add3A_254, %dma_wait3A_256] : memref<6144x2048xf32, #tpu.memory_space<hbm>> -> memref<16x2048xf32, #tpu.memory_space<hbm>>
    %dma_wait3A_258 = tpu.memref_slice %arg7[%dma_wait3A_255] : memref<2x!tpu.dma_semaphore, #tpu.memory_space<semaphore_mem>> -> memref<1x!tpu.dma_semaphore, #tpu.memory_space<semaphore_mem>>
    %dma_wait3A_259 = tpu.memref_squeeze %dma_wait3A_258 : memref<1x!tpu.dma_semaphore, #tpu.memory_space<semaphore_mem>> -> memref<!tpu.dma_semaphore, #tpu.memory_space<semaphore_mem>>
    %dma_wait3A_260 = arith.constant 0 : i32
    %dma_wait3A_261 = tpu.memref_slice %arg3[%add3A_254, %dma_wait3A_260] : memref<6144x2048xf32, #tpu.memory_space<hbm>> -> memref<16x2048xf32, #tpu.memory_space<hbm>>
    tpu.wait_dma2 semaphore(%dma_wait3A_259 : memref<!tpu.dma_semaphore, #tpu.memory_space<semaphore_mem>>) src(%arg4 : memref<16x2048xf32, #tpu.memory_space<vmem>>) dst(%dma_wait3A_261 : memref<16x2048xf32, #tpu.memory_space<hbm>>)
    %add3A_262 = arith.constant 128 : i32
    %add3A_263 = arith.addi %mul3A_2, %add3A_262 : i32
    %dma_start3A_264 = arith.constant 0 : i32
    %dma_start3A_265 = arith.constant 0 : i32
    %dma_start3A_266 = tpu.memref_slice %arg2[%add3A_263, %dma_start3A_265] : memref<16384x2048xf32, #tpu.memory_space<hbm>> -> memref<16x2048xf32, #tpu.memory_space<hbm>>
    %dma_start3A_267 = tpu.memref_slice %arg6[%dma_start3A_264] : memref<2x!tpu.dma_semaphore, #tpu.memory_space<semaphore_mem>> -> memref<1x!tpu.dma_semaphore, #tpu.memory_space<semaphore_mem>>
    %dma_start3A_268 = tpu.memref_squeeze %dma_start3A_267 : memref<1x!tpu.dma_semaphore, #tpu.memory_space<semaphore_mem>> -> memref<!tpu.dma_semaphore, #tpu.memory_space<semaphore_mem>>
    %dma_start3A_269 = arith.constant 0 : i32
    %dma_start3A_270 = tpu.memref_slice %arg2[%add3A_263, %dma_start3A_269] : memref<16384x2048xf32, #tpu.memory_space<hbm>> -> memref<16x2048xf32, #tpu.memory_space<hbm>>
    tpu.enqueue_dma source(%dma_start3A_270 : memref<16x2048xf32, #tpu.memory_space<hbm>>) target(%arg4 : memref<16x2048xf32, #tpu.memory_space<vmem>>) target_semaphore(%dma_start3A_268 : memref<!tpu.dma_semaphore, #tpu.memory_space<semaphore_mem>>)
    %add3A_271 = arith.constant 112 : i32
    %add3A_272 = arith.addi %mul3A_2, %add3A_271 : i32
    %dma_wait3A_273 = arith.constant 1 : i32
    %dma_wait3A_274 = arith.constant 0 : i32
    %dma_wait3A_275 = tpu.memref_slice %arg2[%add3A_272, %dma_wait3A_274] : memref<16384x2048xf32, #tpu.memory_space<hbm>> -> memref<16x2048xf32, #tpu.memory_space<hbm>>
    %dma_wait3A_276 = tpu.memref_slice %arg6[%dma_wait3A_273] : memref<2x!tpu.dma_semaphore, #tpu.memory_space<semaphore_mem>> -> memref<1x!tpu.dma_semaphore, #tpu.memory_space<semaphore_mem>>
    %dma_wait3A_277 = tpu.memref_squeeze %dma_wait3A_276 : memref<1x!tpu.dma_semaphore, #tpu.memory_space<semaphore_mem>> -> memref<!tpu.dma_semaphore, #tpu.memory_space<semaphore_mem>>
    %dma_wait3A_278 = arith.constant 0 : i32
    %dma_wait3A_279 = tpu.memref_slice %arg2[%add3A_272, %dma_wait3A_278] : memref<16384x2048xf32, #tpu.memory_space<hbm>> -> memref<16x2048xf32, #tpu.memory_space<hbm>>
    tpu.wait_dma2 semaphore(%dma_wait3A_277 : memref<!tpu.dma_semaphore, #tpu.memory_space<semaphore_mem>>) src(%dma_wait3A_279 : memref<16x2048xf32, #tpu.memory_space<hbm>>) dst(%arg5 : memref<16x2048xf32, #tpu.memory_space<vmem>>)
    %add3A_280 = arith.constant 112 : i32
    %add3A_281 = arith.addi %mul3A_2, %add3A_280 : i32
    %dma_start3A_282 = arith.constant 1 : i32
    %dma_start3A_283 = arith.constant 0 : i32
    %dma_start3A_284 = tpu.memref_slice %arg3[%add3A_281, %dma_start3A_283] : memref<6144x2048xf32, #tpu.memory_space<hbm>> -> memref<16x2048xf32, #tpu.memory_space<hbm>>
    %dma_start3A_285 = tpu.memref_slice %arg7[%dma_start3A_282] : memref<2x!tpu.dma_semaphore, #tpu.memory_space<semaphore_mem>> -> memref<1x!tpu.dma_semaphore, #tpu.memory_space<semaphore_mem>>
    %dma_start3A_286 = tpu.memref_squeeze %dma_start3A_285 : memref<1x!tpu.dma_semaphore, #tpu.memory_space<semaphore_mem>> -> memref<!tpu.dma_semaphore, #tpu.memory_space<semaphore_mem>>
    %dma_start3A_287 = arith.constant 0 : i32
    %dma_start3A_288 = tpu.memref_slice %arg3[%add3A_281, %dma_start3A_287] : memref<6144x2048xf32, #tpu.memory_space<hbm>> -> memref<16x2048xf32, #tpu.memory_space<hbm>>
    tpu.enqueue_dma source(%arg5 : memref<16x2048xf32, #tpu.memory_space<vmem>>) target(%dma_start3A_288 : memref<16x2048xf32, #tpu.memory_space<hbm>>) target_semaphore(%dma_start3A_286 : memref<!tpu.dma_semaphore, #tpu.memory_space<semaphore_mem>>)
    %add3A_289 = arith.constant 112 : i32
    %add3A_290 = arith.addi %mul3A_2, %add3A_289 : i32
    %dma_wait3A_291 = arith.constant 1 : i32
    %dma_wait3A_292 = arith.constant 0 : i32
    %dma_wait3A_293 = tpu.memref_slice %arg3[%add3A_290, %dma_wait3A_292] : memref<6144x2048xf32, #tpu.memory_space<hbm>> -> memref<16x2048xf32, #tpu.memory_space<hbm>>
    %dma_wait3A_294 = tpu.memref_slice %arg7[%dma_wait3A_291] : memref<2x!tpu.dma_semaphore, #tpu.memory_space<semaphore_mem>> -> memref<1x!tpu.dma_semaphore, #tpu.memory_space<semaphore_mem>>
    %dma_wait3A_295 = tpu.memref_squeeze %dma_wait3A_294 : memref<1x!tpu.dma_semaphore, #tpu.memory_space<semaphore_mem>> -> memref<!tpu.dma_semaphore, #tpu.memory_space<semaphore_mem>>
    %dma_wait3A_296 = arith.constant 0 : i32
    %dma_wait3A_297 = tpu.memref_slice %arg3[%add3A_290, %dma_wait3A_296] : memref<6144x2048xf32, #tpu.memory_space<hbm>> -> memref<16x2048xf32, #tpu.memory_space<hbm>>
    tpu.wait_dma2 semaphore(%dma_wait3A_295 : memref<!tpu.dma_semaphore, #tpu.memory_space<semaphore_mem>>) src(%arg5 : memref<16x2048xf32, #tpu.memory_space<vmem>>) dst(%dma_wait3A_297 : memref<16x2048xf32, #tpu.memory_space<hbm>>)
    %add3A_298 = arith.constant 144 : i32
    %add3A_299 = arith.addi %mul3A_2, %add3A_298 : i32
    %dma_start3A_300 = arith.constant 1 : i32
    %dma_start3A_301 = arith.constant 0 : i32
    %dma_start3A_302 = tpu.memref_slice %arg2[%add3A_299, %dma_start3A_301] : memref<16384x2048xf32, #tpu.memory_space<hbm>> -> memref<16x2048xf32, #tpu.memory_space<hbm>>
    %dma_start3A_303 = tpu.memref_slice %arg6[%dma_start3A_300] : memref<2x!tpu.dma_semaphore, #tpu.memory_space<semaphore_mem>> -> memref<1x!tpu.dma_semaphore, #tpu.memory_space<semaphore_mem>>
    %dma_start3A_304 = tpu.memref_squeeze %dma_start3A_303 : memref<1x!tpu.dma_semaphore, #tpu.memory_space<semaphore_mem>> -> memref<!tpu.dma_semaphore, #tpu.memory_space<semaphore_mem>>
    %dma_start3A_305 = arith.constant 0 : i32
    %dma_start3A_306 = tpu.memref_slice %arg2[%add3A_299, %dma_start3A_305] : memref<16384x2048xf32, #tpu.memory_space<hbm>> -> memref<16x2048xf32, #tpu.memory_space<hbm>>
    tpu.enqueue_dma source(%dma_start3A_306 : memref<16x2048xf32, #tpu.memory_space<hbm>>) target(%arg5 : memref<16x2048xf32, #tpu.memory_space<vmem>>) target_semaphore(%dma_start3A_304 : memref<!tpu.dma_semaphore, #tpu.memory_space<semaphore_mem>>)
    %add3A_307 = arith.constant 128 : i32
    %add3A_308 = arith.addi %mul3A_2, %add3A_307 : i32
    %dma_wait3A_309 = arith.constant 0 : i32
    %dma_wait3A_310 = arith.constant 0 : i32
    %dma_wait3A_311 = tpu.memref_slice %arg2[%add3A_308, %dma_wait3A_310] : memref<16384x2048xf32, #tpu.memory_space<hbm>> -> memref<16x2048xf32, #tpu.memory_space<hbm>>
    %dma_wait3A_312 = tpu.memref_slice %arg6[%dma_wait3A_309] : memref<2x!tpu.dma_semaphore, #tpu.memory_space<semaphore_mem>> -> memref<1x!tpu.dma_semaphore, #tpu.memory_space<semaphore_mem>>
    %dma_wait3A_313 = tpu.memref_squeeze %dma_wait3A_312 : memref<1x!tpu.dma_semaphore, #tpu.memory_space<semaphore_mem>> -> memref<!tpu.dma_semaphore, #tpu.memory_space<semaphore_mem>>
    %dma_wait3A_314 = arith.constant 0 : i32
    %dma_wait3A_315 = tpu.memref_slice %arg2[%add3A_308, %dma_wait3A_314] : memref<16384x2048xf32, #tpu.memory_space<hbm>> -> memref<16x2048xf32, #tpu.memory_space<hbm>>
    tpu.wait_dma2 semaphore(%dma_wait3A_313 : memref<!tpu.dma_semaphore, #tpu.memory_space<semaphore_mem>>) src(%dma_wait3A_315 : memref<16x2048xf32, #tpu.memory_space<hbm>>) dst(%arg4 : memref<16x2048xf32, #tpu.memory_space<vmem>>)
    %add3A_316 = arith.constant 128 : i32
    %add3A_317 = arith.addi %mul3A_2, %add3A_316 : i32
    %dma_start3A_318 = arith.constant 0 : i32
    %dma_start3A_319 = arith.constant 0 : i32
    %dma_start3A_320 = tpu.memref_slice %arg3[%add3A_317, %dma_start3A_319] : memref<6144x2048xf32, #tpu.memory_space<hbm>> -> memref<16x2048xf32, #tpu.memory_space<hbm>>
    %dma_start3A_321 = tpu.memref_slice %arg7[%dma_start3A_318] : memref<2x!tpu.dma_semaphore, #tpu.memory_space<semaphore_mem>> -> memref<1x!tpu.dma_semaphore, #tpu.memory_space<semaphore_mem>>
    %dma_start3A_322 = tpu.memref_squeeze %dma_start3A_321 : memref<1x!tpu.dma_semaphore, #tpu.memory_space<semaphore_mem>> -> memref<!tpu.dma_semaphore, #tpu.memory_space<semaphore_mem>>
    %dma_start3A_323 = arith.constant 0 : i32
    %dma_start3A_324 = tpu.memref_slice %arg3[%add3A_317, %dma_start3A_323] : memref<6144x2048xf32, #tpu.memory_space<hbm>> -> memref<16x2048xf32, #tpu.memory_space<hbm>>
    tpu.enqueue_dma source(%arg4 : memref<16x2048xf32, #tpu.memory_space<vmem>>) target(%dma_start3A_324 : memref<16x2048xf32, #tpu.memory_space<hbm>>) target_semaphore(%dma_start3A_322 : memref<!tpu.dma_semaphore, #tpu.memory_space<semaphore_mem>>)
    %add3A_325 = arith.constant 128 : i32
    %add3A_326 = arith.addi %mul3A_2, %add3A_325 : i32
    %dma_wait3A_327 = arith.constant 0 : i32
    %dma_wait3A_328 = arith.constant 0 : i32
    %dma_wait3A_329 = tpu.memref_slice %arg3[%add3A_326, %dma_wait3A_328] : memref<6144x2048xf32, #tpu.memory_space<hbm>> -> memref<16x2048xf32, #tpu.memory_space<hbm>>
    %dma_wait3A_330 = tpu.memref_slice %arg7[%dma_wait3A_327] : memref<2x!tpu.dma_semaphore, #tpu.memory_space<semaphore_mem>> -> memref<1x!tpu.dma_semaphore, #tpu.memory_space<semaphore_mem>>
    %dma_wait3A_331 = tpu.memref_squeeze %dma_wait3A_330 : memref<1x!tpu.dma_semaphore, #tpu.memory_space<semaphore_mem>> -> memref<!tpu.dma_semaphore, #tpu.memory_space<semaphore_mem>>
    %dma_wait3A_332 = arith.constant 0 : i32
    %dma_wait3A_333 = tpu.memref_slice %arg3[%add3A_326, %dma_wait3A_332] : memref<6144x2048xf32, #tpu.memory_space<hbm>> -> memref<16x2048xf32, #tpu.memory_space<hbm>>
    tpu.wait_dma2 semaphore(%dma_wait3A_331 : memref<!tpu.dma_semaphore, #tpu.memory_space<semaphore_mem>>) src(%arg4 : memref<16x2048xf32, #tpu.memory_space<vmem>>) dst(%dma_wait3A_333 : memref<16x2048xf32, #tpu.memory_space<hbm>>)
    %add3A_334 = arith.constant 160 : i32
    %add3A_335 = arith.addi %mul3A_2, %add3A_334 : i32
    %dma_start3A_336 = arith.constant 0 : i32
    %dma_start3A_337 = arith.constant 0 : i32
    %dma_start3A_338 = tpu.memref_slice %arg2[%add3A_335, %dma_start3A_337] : memref<16384x2048xf32, #tpu.memory_space<hbm>> -> memref<16x2048xf32, #tpu.memory_space<hbm>>
    %dma_start3A_339 = tpu.memref_slice %arg6[%dma_start3A_336] : memref<2x!tpu.dma_semaphore, #tpu.memory_space<semaphore_mem>> -> memref<1x!tpu.dma_semaphore, #tpu.memory_space<semaphore_mem>>
    %dma_start3A_340 = tpu.memref_squeeze %dma_start3A_339 : memref<1x!tpu.dma_semaphore, #tpu.memory_space<semaphore_mem>> -> memref<!tpu.dma_semaphore, #tpu.memory_space<semaphore_mem>>
    %dma_start3A_341 = arith.constant 0 : i32
    %dma_start3A_342 = tpu.memref_slice %arg2[%add3A_335, %dma_start3A_341] : memref<16384x2048xf32, #tpu.memory_space<hbm>> -> memref<16x2048xf32, #tpu.memory_space<hbm>>
    tpu.enqueue_dma source(%dma_start3A_342 : memref<16x2048xf32, #tpu.memory_space<hbm>>) target(%arg4 : memref<16x2048xf32, #tpu.memory_space<vmem>>) target_semaphore(%dma_start3A_340 : memref<!tpu.dma_semaphore, #tpu.memory_space<semaphore_mem>>)
    %add3A_343 = arith.constant 144 : i32
    %add3A_344 = arith.addi %mul3A_2, %add3A_343 : i32
    %dma_wait3A_345 = arith.constant 1 : i32
    %dma_wait3A_346 = arith.constant 0 : i32
    %dma_wait3A_347 = tpu.memref_slice %arg2[%add3A_344, %dma_wait3A_346] : memref<16384x2048xf32, #tpu.memory_space<hbm>> -> memref<16x2048xf32, #tpu.memory_space<hbm>>
    %dma_wait3A_348 = tpu.memref_slice %arg6[%dma_wait3A_345] : memref<2x!tpu.dma_semaphore, #tpu.memory_space<semaphore_mem>> -> memref<1x!tpu.dma_semaphore, #tpu.memory_space<semaphore_mem>>
    %dma_wait3A_349 = tpu.memref_squeeze %dma_wait3A_348 : memref<1x!tpu.dma_semaphore, #tpu.memory_space<semaphore_mem>> -> memref<!tpu.dma_semaphore, #tpu.memory_space<semaphore_mem>>
    %dma_wait3A_350 = arith.constant 0 : i32
    %dma_wait3A_351 = tpu.memref_slice %arg2[%add3A_344, %dma_wait3A_350] : memref<16384x2048xf32, #tpu.memory_space<hbm>> -> memref<16x2048xf32, #tpu.memory_space<hbm>>
    tpu.wait_dma2 semaphore(%dma_wait3A_349 : memref<!tpu.dma_semaphore, #tpu.memory_space<semaphore_mem>>) src(%dma_wait3A_351 : memref<16x2048xf32, #tpu.memory_space<hbm>>) dst(%arg5 : memref<16x2048xf32, #tpu.memory_space<vmem>>)
    %add3A_352 = arith.constant 144 : i32
    %add3A_353 = arith.addi %mul3A_2, %add3A_352 : i32
    %dma_start3A_354 = arith.constant 1 : i32
    %dma_start3A_355 = arith.constant 0 : i32
    %dma_start3A_356 = tpu.memref_slice %arg3[%add3A_353, %dma_start3A_355] : memref<6144x2048xf32, #tpu.memory_space<hbm>> -> memref<16x2048xf32, #tpu.memory_space<hbm>>
    %dma_start3A_357 = tpu.memref_slice %arg7[%dma_start3A_354] : memref<2x!tpu.dma_semaphore, #tpu.memory_space<semaphore_mem>> -> memref<1x!tpu.dma_semaphore, #tpu.memory_space<semaphore_mem>>
    %dma_start3A_358 = tpu.memref_squeeze %dma_start3A_357 : memref<1x!tpu.dma_semaphore, #tpu.memory_space<semaphore_mem>> -> memref<!tpu.dma_semaphore, #tpu.memory_space<semaphore_mem>>
    %dma_start3A_359 = arith.constant 0 : i32
    %dma_start3A_360 = tpu.memref_slice %arg3[%add3A_353, %dma_start3A_359] : memref<6144x2048xf32, #tpu.memory_space<hbm>> -> memref<16x2048xf32, #tpu.memory_space<hbm>>
    tpu.enqueue_dma source(%arg5 : memref<16x2048xf32, #tpu.memory_space<vmem>>) target(%dma_start3A_360 : memref<16x2048xf32, #tpu.memory_space<hbm>>) target_semaphore(%dma_start3A_358 : memref<!tpu.dma_semaphore, #tpu.memory_space<semaphore_mem>>)
    %add3A_361 = arith.constant 144 : i32
    %add3A_362 = arith.addi %mul3A_2, %add3A_361 : i32
    %dma_wait3A_363 = arith.constant 1 : i32
    %dma_wait3A_364 = arith.constant 0 : i32
    %dma_wait3A_365 = tpu.memref_slice %arg3[%add3A_362, %dma_wait3A_364] : memref<6144x2048xf32, #tpu.memory_space<hbm>> -> memref<16x2048xf32, #tpu.memory_space<hbm>>
    %dma_wait3A_366 = tpu.memref_slice %arg7[%dma_wait3A_363] : memref<2x!tpu.dma_semaphore, #tpu.memory_space<semaphore_mem>> -> memref<1x!tpu.dma_semaphore, #tpu.memory_space<semaphore_mem>>
    %dma_wait3A_367 = tpu.memref_squeeze %dma_wait3A_366 : memref<1x!tpu.dma_semaphore, #tpu.memory_space<semaphore_mem>> -> memref<!tpu.dma_semaphore, #tpu.memory_space<semaphore_mem>>
    %dma_wait3A_368 = arith.constant 0 : i32
    %dma_wait3A_369 = tpu.memref_slice %arg3[%add3A_362, %dma_wait3A_368] : memref<6144x2048xf32, #tpu.memory_space<hbm>> -> memref<16x2048xf32, #tpu.memory_space<hbm>>
    tpu.wait_dma2 semaphore(%dma_wait3A_367 : memref<!tpu.dma_semaphore, #tpu.memory_space<semaphore_mem>>) src(%arg5 : memref<16x2048xf32, #tpu.memory_space<vmem>>) dst(%dma_wait3A_369 : memref<16x2048xf32, #tpu.memory_space<hbm>>)
    %add3A_370 = arith.constant 176 : i32
    %add3A_371 = arith.addi %mul3A_2, %add3A_370 : i32
    %dma_start3A_372 = arith.constant 1 : i32
    %dma_start3A_373 = arith.constant 0 : i32
    %dma_start3A_374 = tpu.memref_slice %arg2[%add3A_371, %dma_start3A_373] : memref<16384x2048xf32, #tpu.memory_space<hbm>> -> memref<16x2048xf32, #tpu.memory_space<hbm>>
    %dma_start3A_375 = tpu.memref_slice %arg6[%dma_start3A_372] : memref<2x!tpu.dma_semaphore, #tpu.memory_space<semaphore_mem>> -> memref<1x!tpu.dma_semaphore, #tpu.memory_space<semaphore_mem>>
    %dma_start3A_376 = tpu.memref_squeeze %dma_start3A_375 : memref<1x!tpu.dma_semaphore, #tpu.memory_space<semaphore_mem>> -> memref<!tpu.dma_semaphore, #tpu.memory_space<semaphore_mem>>
    %dma_start3A_377 = arith.constant 0 : i32
    %dma_start3A_378 = tpu.memref_slice %arg2[%add3A_371, %dma_start3A_377] : memref<16384x2048xf32, #tpu.memory_space<hbm>> -> memref<16x2048xf32, #tpu.memory_space<hbm>>
    tpu.enqueue_dma source(%dma_start3A_378 : memref<16x2048xf32, #tpu.memory_space<hbm>>) target(%arg5 : memref<16x2048xf32, #tpu.memory_space<vmem>>) target_semaphore(%dma_start3A_376 : memref<!tpu.dma_semaphore, #tpu.memory_space<semaphore_mem>>)
    %add3A_379 = arith.constant 160 : i32
    %add3A_380 = arith.addi %mul3A_2, %add3A_379 : i32
    %dma_wait3A_381 = arith.constant 0 : i32
    %dma_wait3A_382 = arith.constant 0 : i32
    %dma_wait3A_383 = tpu.memref_slice %arg2[%add3A_380, %dma_wait3A_382] : memref<16384x2048xf32, #tpu.memory_space<hbm>> -> memref<16x2048xf32, #tpu.memory_space<hbm>>
    %dma_wait3A_384 = tpu.memref_slice %arg6[%dma_wait3A_381] : memref<2x!tpu.dma_semaphore, #tpu.memory_space<semaphore_mem>> -> memref<1x!tpu.dma_semaphore, #tpu.memory_space<semaphore_mem>>
    %dma_wait3A_385 = tpu.memref_squeeze %dma_wait3A_384 : memref<1x!tpu.dma_semaphore, #tpu.memory_space<semaphore_mem>> -> memref<!tpu.dma_semaphore, #tpu.memory_space<semaphore_mem>>
    %dma_wait3A_386 = arith.constant 0 : i32
    %dma_wait3A_387 = tpu.memref_slice %arg2[%add3A_380, %dma_wait3A_386] : memref<16384x2048xf32, #tpu.memory_space<hbm>> -> memref<16x2048xf32, #tpu.memory_space<hbm>>
    tpu.wait_dma2 semaphore(%dma_wait3A_385 : memref<!tpu.dma_semaphore, #tpu.memory_space<semaphore_mem>>) src(%dma_wait3A_387 : memref<16x2048xf32, #tpu.memory_space<hbm>>) dst(%arg4 : memref<16x2048xf32, #tpu.memory_space<vmem>>)
    %add3A_388 = arith.constant 160 : i32
    %add3A_389 = arith.addi %mul3A_2, %add3A_388 : i32
    %dma_start3A_390 = arith.constant 0 : i32
    %dma_start3A_391 = arith.constant 0 : i32
    %dma_start3A_392 = tpu.memref_slice %arg3[%add3A_389, %dma_start3A_391] : memref<6144x2048xf32, #tpu.memory_space<hbm>> -> memref<16x2048xf32, #tpu.memory_space<hbm>>
    %dma_start3A_393 = tpu.memref_slice %arg7[%dma_start3A_390] : memref<2x!tpu.dma_semaphore, #tpu.memory_space<semaphore_mem>> -> memref<1x!tpu.dma_semaphore, #tpu.memory_space<semaphore_mem>>
    %dma_start3A_394 = tpu.memref_squeeze %dma_start3A_393 : memref<1x!tpu.dma_semaphore, #tpu.memory_space<semaphore_mem>> -> memref<!tpu.dma_semaphore, #tpu.memory_space<semaphore_mem>>
    %dma_start3A_395 = arith.constant 0 : i32
    %dma_start3A_396 = tpu.memref_slice %arg3[%add3A_389, %dma_start3A_395] : memref<6144x2048xf32, #tpu.memory_space<hbm>> -> memref<16x2048xf32, #tpu.memory_space<hbm>>
    tpu.enqueue_dma source(%arg4 : memref<16x2048xf32, #tpu.memory_space<vmem>>) target(%dma_start3A_396 : memref<16x2048xf32, #tpu.memory_space<hbm>>) target_semaphore(%dma_start3A_394 : memref<!tpu.dma_semaphore, #tpu.memory_space<semaphore_mem>>)
    %add3A_397 = arith.constant 176 : i32
    %add3A_398 = arith.addi %mul3A_2, %add3A_397 : i32
    %dma_wait3A_399 = arith.constant 1 : i32
    %dma_wait3A_400 = arith.constant 0 : i32
    %dma_wait3A_401 = tpu.memref_slice %arg2[%add3A_398, %dma_wait3A_400] : memref<16384x2048xf32, #tpu.memory_space<hbm>> -> memref<16x2048xf32, #tpu.memory_space<hbm>>
    %dma_wait3A_402 = tpu.memref_slice %arg6[%dma_wait3A_399] : memref<2x!tpu.dma_semaphore, #tpu.memory_space<semaphore_mem>> -> memref<1x!tpu.dma_semaphore, #tpu.memory_space<semaphore_mem>>
    %dma_wait3A_403 = tpu.memref_squeeze %dma_wait3A_402 : memref<1x!tpu.dma_semaphore, #tpu.memory_space<semaphore_mem>> -> memref<!tpu.dma_semaphore, #tpu.memory_space<semaphore_mem>>
    %dma_wait3A_404 = arith.constant 0 : i32
    %dma_wait3A_405 = tpu.memref_slice %arg2[%add3A_398, %dma_wait3A_404] : memref<16384x2048xf32, #tpu.memory_space<hbm>> -> memref<16x2048xf32, #tpu.memory_space<hbm>>
    tpu.wait_dma2 semaphore(%dma_wait3A_403 : memref<!tpu.dma_semaphore, #tpu.memory_space<semaphore_mem>>) src(%dma_wait3A_405 : memref<16x2048xf32, #tpu.memory_space<hbm>>) dst(%arg5 : memref<16x2048xf32, #tpu.memory_space<vmem>>)
    %add3A_406 = arith.constant 176 : i32
    %add3A_407 = arith.addi %mul3A_2, %add3A_406 : i32
    %dma_start3A_408 = arith.constant 1 : i32
    %dma_start3A_409 = arith.constant 0 : i32
    %dma_start3A_410 = tpu.memref_slice %arg3[%add3A_407, %dma_start3A_409] : memref<6144x2048xf32, #tpu.memory_space<hbm>> -> memref<16x2048xf32, #tpu.memory_space<hbm>>
    %dma_start3A_411 = tpu.memref_slice %arg7[%dma_start3A_408] : memref<2x!tpu.dma_semaphore, #tpu.memory_space<semaphore_mem>> -> memref<1x!tpu.dma_semaphore, #tpu.memory_space<semaphore_mem>>
    %dma_start3A_412 = tpu.memref_squeeze %dma_start3A_411 : memref<1x!tpu.dma_semaphore, #tpu.memory_space<semaphore_mem>> -> memref<!tpu.dma_semaphore, #tpu.memory_space<semaphore_mem>>
    %dma_start3A_413 = arith.constant 0 : i32
    %dma_start3A_414 = tpu.memref_slice %arg3[%add3A_407, %dma_start3A_413] : memref<6144x2048xf32, #tpu.memory_space<hbm>> -> memref<16x2048xf32, #tpu.memory_space<hbm>>
    tpu.enqueue_dma source(%arg5 : memref<16x2048xf32, #tpu.memory_space<vmem>>) target(%dma_start3A_414 : memref<16x2048xf32, #tpu.memory_space<hbm>>) target_semaphore(%dma_start3A_412 : memref<!tpu.dma_semaphore, #tpu.memory_space<semaphore_mem>>)
    %add3A_415 = arith.constant 160 : i32
    %add3A_416 = arith.addi %mul3A_2, %add3A_415 : i32
    %dma_wait3A_417 = arith.constant 0 : i32
    %dma_wait3A_418 = arith.constant 0 : i32
    %dma_wait3A_419 = tpu.memref_slice %arg3[%add3A_416, %dma_wait3A_418] : memref<6144x2048xf32, #tpu.memory_space<hbm>> -> memref<16x2048xf32, #tpu.memory_space<hbm>>
    %dma_wait3A_420 = tpu.memref_slice %arg7[%dma_wait3A_417] : memref<2x!tpu.dma_semaphore, #tpu.memory_space<semaphore_mem>> -> memref<1x!tpu.dma_semaphore, #tpu.memory_space<semaphore_mem>>
    %dma_wait3A_421 = tpu.memref_squeeze %dma_wait3A_420 : memref<1x!tpu.dma_semaphore, #tpu.memory_space<semaphore_mem>> -> memref<!tpu.dma_semaphore, #tpu.memory_space<semaphore_mem>>
    %dma_wait3A_422 = arith.constant 0 : i32
    %dma_wait3A_423 = tpu.memref_slice %arg3[%add3A_416, %dma_wait3A_422] : memref<6144x2048xf32, #tpu.memory_space<hbm>> -> memref<16x2048xf32, #tpu.memory_space<hbm>>
    tpu.wait_dma2 semaphore(%dma_wait3A_421 : memref<!tpu.dma_semaphore, #tpu.memory_space<semaphore_mem>>) src(%arg4 : memref<16x2048xf32, #tpu.memory_space<vmem>>) dst(%dma_wait3A_423 : memref<16x2048xf32, #tpu.memory_space<hbm>>)
    %add3A_424 = arith.constant 176 : i32
    %add3A_425 = arith.addi %mul3A_2, %add3A_424 : i32
    %dma_wait3A_426 = arith.constant 1 : i32
    %dma_wait3A_427 = arith.constant 0 : i32
    %dma_wait3A_428 = tpu.memref_slice %arg3[%add3A_425, %dma_wait3A_427] : memref<6144x2048xf32, #tpu.memory_space<hbm>> -> memref<16x2048xf32, #tpu.memory_space<hbm>>
    %dma_wait3A_429 = tpu.memref_slice %arg7[%dma_wait3A_426] : memref<2x!tpu.dma_semaphore, #tpu.memory_space<semaphore_mem>> -> memref<1x!tpu.dma_semaphore, #tpu.memory_space<semaphore_mem>>
    %dma_wait3A_430 = tpu.memref_squeeze %dma_wait3A_429 : memref<1x!tpu.dma_semaphore, #tpu.memory_space<semaphore_mem>> -> memref<!tpu.dma_semaphore, #tpu.memory_space<semaphore_mem>>
    %dma_wait3A_431 = arith.constant 0 : i32
    %dma_wait3A_432 = tpu.memref_slice %arg3[%add3A_425, %dma_wait3A_431] : memref<6144x2048xf32, #tpu.memory_space<hbm>> -> memref<16x2048xf32, #tpu.memory_space<hbm>>
    tpu.wait_dma2 semaphore(%dma_wait3A_430 : memref<!tpu.dma_semaphore, #tpu.memory_space<semaphore_mem>>) src(%arg5 : memref<16x2048xf32, #tpu.memory_space<vmem>>) dst(%dma_wait3A_432 : memref<16x2048xf32, #tpu.memory_space<hbm>>)
    return
  }
}

module attributes {stable_mosaic.version = 14 : i64} {
  func.func @_tc_body(%arg0: i32, %arg1: memref<1024x2048xf32, #tpu.memory_space<vmem>>, %arg2: memref<1024x2048xf32, #tpu.memory_space<vmem>>) attributes {dimension_semantics = [#tpu.dimension_semantics<arbitrary>], iteration_bounds = array<i64: 10>, scalar_prefetch = 0 : i64, scratch_operands = 0 : i64, tpu.core_type = #tpu.core_type<tc>, window_params = [{transform_indices = @transform_0, window_bounds = array<i64: 1024, 2048>}, {transform_indices = @transform_1, window_bounds = array<i64: 1024, 2048>}]} {
    %get3A = arith.constant 0 : index
    %get3A_0 = arith.constant 0 : index
    %get3A_1 = vector.load %arg1[%get3A, %get3A_0] : memref<1024x2048xf32, #tpu.memory_space<vmem>>, vector<1024x2048xf32>
    %swap3A = arith.constant 0 : index
    %swap3A_2 = arith.constant 0 : index
    %swap3A_3 = vector.load %arg2[%swap3A, %swap3A_2] : memref<1024x2048xf32, #tpu.memory_space<vmem>>, vector<1024x2048xf32>
    tpu.vector_store %arg2[%swap3A, %swap3A_2], %get3A_1 {strides = array<i32>} : memref<1024x2048xf32, #tpu.memory_space<vmem>>, vector<1024x2048xf32>,
    return
  }
  func.func @transform_0(%arg0: i32) -> (i32, i32) {
    %add3A = arith.constant 6 : i32
    %add3A_0 = arith.addi %arg0, %add3A : i32
    %c0_i32 = arith.constant 0 : i32
    %c0_i32_1 = arith.constant 0 : i32
    return %add3A_0, %c0_i32 : i32, i32
  }
  func.func @transform_1(%arg0: i32) -> (i32, i32) {
    %c0_i32 = arith.constant 0 : i32
    %c0_i32_0 = arith.constant 0 : i32
    return %arg0, %c0_i32 : i32, i32
  }
}

</mosaic_0001>

<sc_bundles>
// kernel: kernel.4.cloned.1.call-start
scs
__scs_entry_jumppad:
0x0: {  	(pc) =	sbr.rel $0x88, $3  }
0x1: {  	(tag) =	ssettag $0x0;
	lr =	simm.s32 $0x1  }
0x2: {  	[smem:$0x3FA0] =	sst lr;
	_ =	strace $0xD0000000  }
0x3: {  	_ = 	snop  }
0x4: {  	_ = 	snop  }
0x5: {  	_ = 	snop  }
0x6: {  	_ = 	snop  }
0x7: {  	_ = 	snop  }
__scs_overlays_trampoline_lowered:
0x8: {  	[smem:$0x3FAF] =	sst s0  }
0x9: {  	[smem:$0x3FB0] =	sst s1  }
0xa: {  	[smem:$0x3FB1] =	sst s2  }
0xb: {  	[smem:$0x3FB2] =	sst s3  }
0xc: {  	[smem:$0x3FB3] =	sst s4  }
0xd: {  	[smem:$0x3FB4] =	sst s5  }
0xe: {  	[smem:$0x3FB5] =	sst s6  }
0xf: {  	[smem:$0x3FB6] =	sst s7  }
0x10: {  	[smem:$0x3FB7] =	sst s8  }
0x11: {  	[smem:$0x3FB8] =	sst s9;
	s0 =	simm.s32 @!p0 $0x0  }
0x12: {  	s1 =	sld [smem:$0x3F9E];
	s0 =	simm.s32 @p0 $0x1  }
0x13: {  	[smem:$0x3FB9] =	sst s0;
	s0 =	simm.s32 @!p1 $0x0  }
0x14: {  	s2 =	sld [smem:$0x3F9D];
	s0 =	simm.s32 @p1 $0x1  }
0x15: {  	[smem:$0x3FBA] =	sst s0;
	s0 =	simm.s32 @!p2 $0x0  }
0x16: {  	s3 =	sld [smem:$0x3FDB];
	s0 =	simm.s32 @p2 $0x1  }
0x17: {  	s4 =	simm.s32 $0x1BF5;
	[smem:$0x3FBC] =	sst s0  }
0x18: {  	s0 =	sld [smem:$0x3F9F];
	_ =	swait.ge [sflag:s4], $0x0  }
0x19: {  	s7 =	sld [smem:$0x3FA0]  }
0x1a: {  	s8 =	sadd.s32 $0xFFFFE003, lr  }
0x1b: {  	s9 =	sadd.s32 $0xFFFFFEF7, lr;
	s5 =	simm.s32 $0xFFFFFFFF;
	p2 =	slt.u32 s8, $0xFFFFF086  }
0x1c: {  	p1 =	slt.u32 s9, $0xF7A;
	s5 =	simm.s32 @!p2 $0x0  }
0x1d: {  	s5 =	simm.s32 @p1 $0x1;
	p0 =	seq.s32 s7, s2  }
0x1e: {  	s7 =	smul.u32 @!p0 $0xF7A, s2;
	p2 =	seq.s32 @!p0 s5, $0x0  }
0x1f: {  	s9 =	smul.u32 $0xF7A, s1;
	s8 =	simm.s32 @!p0 $0x1BF5;
	p2 =	por !p2, p0  }
0x20: {  	[sflag:s8] =	ssyncset.s32 @!p0 $0xFFFFF086;
	s6 =	sadd.s32 @!p0 s3, s7;
	s7 =	simm.s32 @!p0 $0x108  }
0x21: {  	s3 =	sadd.s32 s3, s9;
	s6 =	sadd.s32 @!p0 $0x88, s6;
	s7 =	simm.s32 @p2 $0x1082  }
0x22: {  	[simem:s7], [sflag:s8] =	dma.local @!p0 [hbm:s6], $0xF7A  }
0x23: {  	s9 =	sor.u32 $0xD0000000, s2;
	s6 =	simm.s32 $0x108;
	_ =	swait.ge @!p0 [sflag:s8], $0x0  }
0x24: {  	s3 =	sadd.s32 $0x88, s3;
	s6 =	simm.s32 @!p1 $0x1082;
	[sflag:s4] =	ssyncset.s32 $0xFFFFF086  }
0x25: {  	[simem:s6], [sflag:s4] =	dma.local [hbm:s3], $0xF7A  }
0x26: {  	[smem:$0x3FA0] =	sst s1;
	(tag) =	ssettag s2;
	_ =	strace s9  }
0x27: {  	s1 =	sld [smem:$0x3FB0]  }
0x28: {  	s2 =	sld [smem:$0x3FB1]  }
0x29: {  	s4 =	sld [smem:$0x3FB3]  }
0x2a: {  	p0 =	seq.s32 s5, $0x0;
	s5 =	sld [smem:$0x3FB4]  }
0x2b: {  	s6 =	sld [smem:$0x3FB5]  }
0x2c: {  	s7 =	sld [smem:$0x3FB6]  }
0x2d: {  	s3 =	simm.s32 $0x108;
	s8 =	sld [smem:$0x3FB7]  }
0x2e: {  	s3 =	simm.s32 @!p0 $0x1082;
	s9 =	sld [smem:$0x3FB8]  }
0x2f: {  	lr =	sadd.s32 s0, s3;
	s0 =	sld [smem:$0x3FAF]  }
0x30: {  	s3 =	sld [smem:$0x3FB2]  }
0x31: {  	[smem:$0x3FBB] =	sst s10  }
0x32: {  	s10 =	sld [smem:$0x3FB9];
	_ =	sdelay $0x3  }
0x33: {  	p0 =	seq.s32 s10, $0x1;
	s10 =	sld [smem:$0x3FBB];
	_ =	sdelay $0x3  }
0x34: {  	[smem:$0x3FBB] =	sst s10  }
0x35: {  	s10 =	sld [smem:$0x3FBA];
	_ =	sdelay $0x3  }
0x36: {  	p1 =	seq.s32 s10, $0x1;
	s10 =	sld [smem:$0x3FBB];
	_ =	sdelay $0x3  }
0x37: {  	[smem:$0x3FBB] =	sst s10  }
0x38: {  	s10 =	sld [smem:$0x3FBC]  }
0x39: {  	_ = 	snop;
	(pc) =	sbr.ind lr, $3  }
0x3a: {  	_ = 	snop  }
0x3b: {  	_ = 	snop  }
0x3c: {  	p2 =	seq.s32 s10, $0x1;
	s10 =	sld [smem:$0x3FBB]  }
0x3d: {  	_ =	shalt  }
0x3e: {  	_ =	shalt  }
0x3f: {  	_ =	shalt  }
0x40: {  	_ =	shalt  }
0x41: {  	_ =	shalt  }
0x42: {  	_ =	shalt  }
0x43: {  	_ =	shalt  }
0x44: {  	_ =	shalt  }
0x45: {  	_ =	shalt  }
0x46: {  	_ =	shalt  }
0x47: {  	_ =	shalt  }
0x48: {  	_ =	shalt  }
0x49: {  	_ =	shalt  }
0x4a: {  	_ =	shalt  }
0x4b: {  	_ =	shalt  }
0x4c: {  	_ =	shalt  }
0x4d: {  	_ =	shalt  }
0x4e: {  	_ =	shalt  }
0x4f: {  	_ =	shalt  }
0x50: {  	_ =	shalt  }
0x51: {  	_ =	shalt  }
0x52: {  	_ =	shalt  }
0x53: {  	_ =	shalt  }
0x54: {  	_ =	shalt  }
0x55: {  	_ =	shalt  }
0x56: {  	_ =	shalt  }
0x57: {  	_ =	shalt  }
0x58: {  	_ =	shalt  }
0x59: {  	_ =	shalt  }
0x5a: {  	_ =	shalt  }
0x5b: {  	_ =	shalt  }
0x5c: {  	_ =	shalt  }
0x5d: {  	_ =	shalt  }
0x5e: {  	_ =	shalt  }
0x5f: {  	_ =	shalt  }
0x60: {  	_ =	shalt  }
0x61: {  	_ =	shalt  }
0x62: {  	_ =	shalt  }
0x63: {  	_ =	shalt  }
0x64: {  	_ =	shalt  }
0x65: {  	_ =	shalt  }
0x66: {  	_ =	shalt  }
0x67: {  	_ =	shalt  }
0x68: {  	_ =	shalt  }
0x69: {  	_ =	shalt  }
0x6a: {  	_ =	shalt  }
0x6b: {  	_ =	shalt  }
0x6c: {  	_ =	shalt  }
0x6d: {  	_ =	shalt  }
0x6e: {  	_ =	shalt  }
0x6f: {  	_ =	shalt  }
0x70: {  	_ =	shalt  }
0x71: {  	_ =	shalt  }
0x72: {  	_ =	shalt  }
0x73: {  	_ =	shalt  }
0x74: {  	_ =	shalt  }
0x75: {  	_ =	shalt  }
0x76: {  	_ =	shalt  }
0x77: {  	_ =	shalt  }
0x78: {  	_ =	shalt  }
0x79: {  	_ =	shalt  }
0x7a: {  	_ =	shalt  }
0x7b: {  	_ =	shalt  }
0x7c: {  	_ =	shalt  }
0x7d: {  	_ =	shalt  }
0x7e: {  	_ =	shalt  }
0x7f: {  	_ =	shalt  }
0x80: {  	_ =	shalt  }
0x81: {  	_ =	shalt  }
0x82: {  	_ =	shalt  }
0x83: {  	_ =	shalt  }
0x84: {  	_ =	shalt  }
0x85: {  	_ =	shalt  }
0x86: {  	_ =	shalt  }
0x87: {  	_ =	shalt  }
.Lfunc_end0:
.L_simem_size_0:
called_computation_lowered:
.L_overlay_start_0:
0x88: {  	s2 =	sld [smem:$0x3FD9]  }
0x89: {  	s3 =	sld [smem:$0x3FFE];
	_ =	sdelay $0x1  }
0x8a: {  	s1 =	srdreg.scid  }
0x8b: {  	s0 =	sand.u32 $0x1, s1  }
0x8c: {  	s17 =	sshll.u32 s0, $0xA;
	s2 =	sadd.s32 s3, s2  }
0x8d: {  	s2 =	sadd.s32 s2, s17  }
0x8e: {  	[smem:$0x3FC7] =	sst s2  }
0x8f: {  	_ = 	snop  }
0x90: {  	s2 =	sld [smem:$0x3FC9];
	(tm) =	ssettm $0x1  }
0x91: {  	s18 =	sld [smem:$0x3FFB];
	_ =	sdelay $0x3  }
0x92: {  	_ =	strace s18  }
0x93: {  	s3 =	sld [smem:$0x3FFC];
	_ =	sdelay $0x3  }
0x94: {  	_ =	strace s3  }
0x95: {  	s3 =	sld [smem:$0x3FFD];
	_ =	sdelay $0x3  }
0x96: {  	_ =	strace s3  }
0x97: {  	_ =	strace $0x8FFFFFFF  }
0x98: {  	s19 =	sld [smem:$0x3FDB];
	_ =	sdelay $0x1  }
0x99: {  	s4 =	simm.s32 $_scs_section_size  }
0x9a: {  	s5 =	simm.s32 $_size__tile_overlayer_lowered;
	s6 =	simm.s32 $_tile_overlayer_lowered  }
0x9b: {  	s22 =	simm.s32 $0x1BFF;
	s21 =	sshll.u32 s6, $0x1;
	s3 =	sadd.s32 s4, s19  }
0x9c: {  	s7 =	simm.s32 $0x0;
	s20 =	sshll.u32 s5, $0x1;
	s5 =	sadd.s32 s21, s3  }
0x9d: {  	[timem:s7], [sflag:s22] =	dma.local [hbm:s5], s20  }
0x9e: {  	_ =	swait.ge [sflag:s22], s20  }
0x9f: {  	s4 =	ssub.s32 $0x0, s20;
	[sflag:s22] =	ssyncset.done $0x0  }
0xa0: {  	[sflag:s22] =	ssyncadd.s32 s4;
	_ =	sdelay $0x1  }
0xa1: {  	s23 =	simm.s32 $0x1B8B  }
0xa2: {  	_ =	swait.ge [sflag:s23], $0x1  }
0xa3: {  	[sflag:s23] =	ssyncset.done $0x0  }
0xa4: {  	s25 =	simm.s32 $0x1B8E;
	s24 =	sld [smem:$0x3FFE];
	[sflag:s23] =	ssyncadd.s32 $0xFFFFFFFF  }
0xa5: {  	s26 =	simm.s32 $execute0_lowered;
	[smem:$0x3FD2] =	sst s25  }
0xa6: {  	s5 =	sshll.u32 s26, $0x1;
	_ =	strace $0x80000046;
	[dreg:$0x1] =	wrdreg $0xFFFFFFFF  }
0xa7: {  	s28 =	simm.s32 $_size_execute0_lowered;
	s3 =	sadd.s32 s3, s5;
	[dreg:$0x0] =	wrdreg $0x0  }
0xa8: {  	s5 =	sshll.u32 s28, $0x1;
	[dreg:$0x2] =	wrdreg s3  }
0xa9: {  	[dreg:$0x3] =	wrdreg s5  }
0xaa: {  	[dreg:$0x4] =	wrdreg $0xC0  }
0xab: {  	_ =	task [dreg:s7], $0x5FFFF  }
0xac: {  	[dreg:$0x1] =	wrdreg $0xFFFFFFFF  }
0xad: {  	[dreg:$0x0] =	wrdreg $0x60  }
0xae: {  	[dreg:$0x2] =	wrdreg s2  }
0xaf: {  	[dreg:$0x3] =	wrdreg s24  }
0xb0: {  	[dreg:$0x4] =	wrdreg $0x9  }
0xb1: {  	_ =	task.clear_ibuf [dreg:s7], $0x5FFFF;
	_ =	strace $0x90000046  }
0xb2: {  	s29 =	simm.s32 $0x9;
	_ =	strace $0x80000048  }
0xb3: {  	_ =	swait.ge [sflag:s29], $0x1  }
0xb4: {  	[sflag:s29] =	ssyncadd.s32 $0xFFFFFFFF  }
0xb5: {  	_ =	strace $0x90000048  }
0xb6: {  	_ =	sfence  }
0xb7: {  	s30 =	sld [smem:$0x0];
	_ =	sdelay $0x2  }
0xb8: {  	s31 =	sshll.u32 s1, $0xD;
	s1 =	sshrl.u32 s1, $0x2  }
0xb9: {  	s3 =	sand.u32 $0x4000, s31;
	s1 =	sadd.s32 s1, s30  }
0xba: {  	s0 =	sor.u32 s3, s0;
	s1 =	sshll.u32 s1, $0x11  }
0xbb: {  	s0 =	sor.u32 s1, s0  }
0xbc: {  	s0 =	sadd.s32 $0x8F2B, s0  }
0xbd: {  	[sflag:s0] =	ssyncadd.remote.s32 $0x1  }
0xbe: {  	_ =	sfence.sel $0xFFFF  }
0xbf: {  	[dreg:$0x0] =	wrdreg $0xFFFFFFFF;
	(pc) =	sbr.abs _section_cstart, $3  }
0xc0: {  	[dreg:$0x1] =	wrdreg $0xFFFFFFFF  }
0xc1: {  	_ =	task.clear_ibuf [dreg:s7], $0x2FFFF;
	_ =	strace $0x9FFFFFFF  }
0xc2: {  	(tm) =	ssettm $0x7FFFFFFF  }
0xc3: {  	_ =	shalt  }
tec
execute0_lowered:
.L_overlay_start_1:
0x0: {  	(tag) =	ssettag $0x1  }
0x1: {  	s1 =	srdreg.scid;
	s0 =	stileid.u32  }
0x2: {  	s1 =	sand.u32 $0x1, s1;
	s2 =	sshll.u32 s0, $0x1  }
0x3: {  	s29 =	rddreg [dreg:$0x0];
	s14 =	sor.u32 s1, s2  }
0x4: {  	s6 =	rddreg [dreg:$0x1];
	s12 =	smul.u32 $0xC000, s14  }
0x5: {  	[dreg:$0x4] =	wrdreg s1;
	s2 =	simm.s32 $0x0  }
0x6: {  	[smem:$0x7FF] =	sst s2;
	s3 =	sadd.s32 s29, s12  }
0x7: {  	_ =	strace $0x80000047;
	[dreg:$0x3] =	wrdreg s3  }
0x8: {  	s10 =	sor.u32 $0x1000, s12;
	s3 =	rddreg [dreg:$0x3]  }
0x9: {  	[tilespmem:s2], [sflag:$0x1] =	stream.linear.gather [hbm4b:s3+s2], $0x8000, $0x38;
	[tilespmem:$0x10000] =	vst v63  }
0xa: {  	s4 =	simm.s32 $0x8000;
	s5 =	simm.s32 $0x1;
	s3 =	sadd.s32 s29, s10  }
0xb: {  	[tilespmem:s4], [sflag:$0x2] =	stream.linear.gather [hbm4b:s3+s2], $0x8000, $0x38;
	[tilespmem:$0x10000] =	vst v63  }
0xc: {  	_ =	swait.ge [sflag:s5], $0x8000  }
0xd: {  	s31 =	sadd.s32 $0x400, s6;
	[sflag:s5] =	ssyncset.done $0x0  }
0xe: {  	s7 =	simm.s32 $0x3;
	s6 =	sadd.s32 s31, s12;
	[sflag:s5] =	ssyncadd.s32 $0xFFFF8000  }
0xf: {  	[hbm4b:s6+s2] =	stream.linear.scatter [tilespmem:s2], [sflag:$0x3], $0x8000, $0x38;
	[tilespmem:$0x10000] =	vst v63  }
0x10: {  	_ =	swait.ge [sflag:s7], $0x8000  }
0x11: {  	s13 =	sor.u32 $0x2000, s12;
	[sflag:s7] =	ssyncset.done $0x0  }
0x12: {  	s9 =	simm.s32 $0x2;
	s8 =	sadd.s32 s29, s13;
	[sflag:s7] =	ssyncadd.s32 $0xFFFF8000  }
0x13: {  	[tilespmem:s2], [sflag:$0x1] =	stream.linear.gather [hbm4b:s8+s2], $0x8000, $0x38;
	[tilespmem:$0x10000] =	vst v63  }
0x14: {  	_ =	swait.ge [sflag:s9], $0x8000  }
0x15: {  	[sflag:s9] =	ssyncset.done $0x0  }
0x16: {  	s11 =	sadd.s32 s31, s10;
	s10 =	simm.s32 $0x4;
	[sflag:s9] =	ssyncadd.s32 $0xFFFF8000  }
0x17: {  	[hbm4b:s11+s2] =	stream.linear.scatter [tilespmem:s4], [sflag:$0x4], $0x8000, $0x38;
	[tilespmem:$0x10000] =	vst v63  }
0x18: {  	_ =	swait.ge [sflag:s10], $0x8000  }
0x19: {  	s15 =	sor.u32 $0x3000, s12;
	[sflag:s10] =	ssyncset.done $0x0  }
0x1a: {  	s12 =	sadd.s32 s29, s15;
	[sflag:s10] =	ssyncadd.s32 $0xFFFF8000  }
0x1b: {  	[tilespmem:s4], [sflag:$0x2] =	stream.linear.gather [hbm4b:s12+s2], $0x8000, $0x38;
	[tilespmem:$0x10000] =	vst v63  }
0x1c: {  	_ =	swait.ge [sflag:s5], $0x8000  }
0x1d: {  	[sflag:s5] =	ssyncset.done $0x0  }
0x1e: {  	s14 =	smul.u32 $0x60000, s14;
	s13 =	sadd.s32 s31, s13;
	[sflag:s5] =	ssyncadd.s32 $0xFFFF8000  }
0x1f: {  	[hbm4b:s13+s2] =	stream.linear.scatter [tilespmem:s2], [sflag:$0x3], $0x8000, $0x38;
	[tilespmem:$0x10000] =	vst v63  }
0x20: {  	s30 =	sshrl.u32 s14, $0x3;
	_ =	swait.ge [sflag:s7], $0x8000  }
0x21: {  	s17 =	sadd.s32 $0x4000, s30;
	[sflag:s7] =	ssyncset.done $0x0  }
0x22: {  	s14 =	sadd.s32 s29, s17;
	[sflag:s7] =	ssyncadd.s32 $0xFFFF8000  }
0x23: {  	[tilespmem:s2], [sflag:$0x1] =	stream.linear.gather [hbm4b:s14+s2], $0x8000, $0x38;
	[tilespmem:$0x10000] =	vst v63  }
0x24: {  	_ =	swait.ge [sflag:s9], $0x8000  }
0x25: {  	[sflag:s9] =	ssyncset.done $0x0  }
0x26: {  	s15 =	sadd.s32 s31, s15;
	[sflag:s9] =	ssyncadd.s32 $0xFFFF8000  }
0x27: {  	[hbm4b:s15+s2] =	stream.linear.scatter [tilespmem:s4], [sflag:$0x4], $0x8000, $0x38;
	[tilespmem:$0x10000] =	vst v63  }
0x28: {  	_ =	swait.ge [sflag:s10], $0x8000  }
0x29: {  	s19 =	sadd.s32 $0x5000, s30;
	[sflag:s10] =	ssyncset.done $0x0  }
0x2a: {  	s16 =	sadd.s32 s29, s19;
	[sflag:s10] =	ssyncadd.s32 $0xFFFF8000  }
0x2b: {  	[tilespmem:s4], [sflag:$0x2] =	stream.linear.gather [hbm4b:s16+s2], $0x8000, $0x38;
	[tilespmem:$0x10000] =	vst v63  }
0x2c: {  	_ =	swait.ge [sflag:s5], $0x8000  }
0x2d: {  	[sflag:s5] =	ssyncset.done $0x0  }
0x2e: {  	s17 =	sadd.s32 s31, s17;
	[sflag:s5] =	ssyncadd.s32 $0xFFFF8000  }
0x2f: {  	[hbm4b:s17+s2] =	stream.linear.scatter [tilespmem:s2], [sflag:$0x3], $0x8000, $0x38;
	[tilespmem:$0x10000] =	vst v63  }
0x30: {  	_ =	swait.ge [sflag:s7], $0x8000  }
0x31: {  	s21 =	sadd.s32 $0x6000, s30;
	[sflag:s7] =	ssyncset.done $0x0  }
0x32: {  	s18 =	sadd.s32 s29, s21;
	[sflag:s7] =	ssyncadd.s32 $0xFFFF8000  }
0x33: {  	[tilespmem:s2], [sflag:$0x1] =	stream.linear.gather [hbm4b:s18+s2], $0x8000, $0x38;
	[tilespmem:$0x10000] =	vst v63  }
0x34: {  	_ =	swait.ge [sflag:s9], $0x8000  }
0x35: {  	[sflag:s9] =	ssyncset.done $0x0  }
0x36: {  	s19 =	sadd.s32 s31, s19;
	[sflag:s9] =	ssyncadd.s32 $0xFFFF8000  }
0x37: {  	[hbm4b:s19+s2] =	stream.linear.scatter [tilespmem:s4], [sflag:$0x4], $0x8000, $0x38;
	[tilespmem:$0x10000] =	vst v63  }
0x38: {  	_ =	swait.ge [sflag:s10], $0x8000  }
0x39: {  	s23 =	sadd.s32 $0x7000, s30;
	[sflag:s10] =	ssyncset.done $0x0  }
0x3a: {  	s20 =	sadd.s32 s29, s23;
	[sflag:s10] =	ssyncadd.s32 $0xFFFF8000  }
0x3b: {  	[tilespmem:s4], [sflag:$0x2] =	stream.linear.gather [hbm4b:s20+s2], $0x8000, $0x38;
	[tilespmem:$0x10000] =	vst v63  }
0x3c: {  	_ =	swait.ge [sflag:s5], $0x8000  }
0x3d: {  	[sflag:s5] =	ssyncset.done $0x0  }
0x3e: {  	s21 =	sadd.s32 s31, s21;
	[sflag:s5] =	ssyncadd.s32 $0xFFFF8000  }
0x3f: {  	[hbm4b:s21+s2] =	stream.linear.scatter [tilespmem:s2], [sflag:$0x3], $0x8000, $0x38;
	[tilespmem:$0x10000] =	vst v63  }
0x40: {  	_ =	swait.ge [sflag:s7], $0x8000  }
0x41: {  	s25 =	sadd.s32 $0x8000, s30;
	[sflag:s7] =	ssyncset.done $0x0  }
0x42: {  	s22 =	sadd.s32 s29, s25;
	[sflag:s7] =	ssyncadd.s32 $0xFFFF8000  }
0x43: {  	[tilespmem:s2], [sflag:$0x1] =	stream.linear.gather [hbm4b:s22+s2], $0x8000, $0x38;
	[tilespmem:$0x10000] =	vst v63  }
0x44: {  	_ =	swait.ge [sflag:s9], $0x8000  }
0x45: {  	[sflag:s9] =	ssyncset.done $0x0  }
0x46: {  	s23 =	sadd.s32 s31, s23;
	[sflag:s9] =	ssyncadd.s32 $0xFFFF8000  }
0x47: {  	[hbm4b:s23+s2] =	stream.linear.scatter [tilespmem:s4], [sflag:$0x4], $0x8000, $0x38;
	[tilespmem:$0x10000] =	vst v63  }
0x48: {  	_ =	swait.ge [sflag:s10], $0x8000  }
0x49: {  	s28 =	sadd.s32 $0x9000, s30;
	[sflag:s10] =	ssyncset.done $0x0  }
0x4a: {  	s24 =	sadd.s32 s29, s28;
	[sflag:s10] =	ssyncadd.s32 $0xFFFF8000  }
0x4b: {  	[tilespmem:s4], [sflag:$0x2] =	stream.linear.gather [hbm4b:s24+s2], $0x8000, $0x38;
	[tilespmem:$0x10000] =	vst v63  }
0x4c: {  	_ =	swait.ge [sflag:s5], $0x8000  }
0x4d: {  	[sflag:s5] =	ssyncset.done $0x0  }
0x4e: {  	s25 =	sadd.s32 s31, s25;
	[sflag:s5] =	ssyncadd.s32 $0xFFFF8000  }
0x4f: {  	[hbm4b:s25+s2] =	stream.linear.scatter [tilespmem:s2], [sflag:$0x3], $0x8000, $0x38;
	[tilespmem:$0x10000] =	vst v63  }
0x50: {  	_ =	swait.ge [sflag:s7], $0x8000  }
0x51: {  	s1 =	sadd.s32 $0xA000, s30;
	[sflag:s7] =	ssyncset.done $0x0  }
0x52: {  	s26 =	sadd.s32 s29, s1;
	[sflag:s7] =	ssyncadd.s32 $0xFFFF8000  }
0x53: {  	[tilespmem:s2], [sflag:$0x1] =	stream.linear.gather [hbm4b:s26+s2], $0x8000, $0x38;
	[tilespmem:$0x10000] =	vst v63  }
0x54: {  	_ =	swait.ge [sflag:s9], $0x8000  }
0x55: {  	[sflag:s9] =	ssyncset.done $0x0  }
0x56: {  	s28 =	sadd.s32 s31, s28;
	[sflag:s9] =	ssyncadd.s32 $0xFFFF8000  }
0x57: {  	[hbm4b:s28+s2] =	stream.linear.scatter [tilespmem:s4], [sflag:$0x4], $0x8000, $0x38;
	[tilespmem:$0x10000] =	vst v63  }
0x58: {  	_ =	swait.ge [sflag:s10], $0x8000  }
0x59: {  	s0 =	sadd.s32 $0xB000, s30;
	[sflag:s10] =	ssyncset.done $0x0  }
0x5a: {  	s29 =	sadd.s32 s29, s0;
	[sflag:s10] =	ssyncadd.s32 $0xFFFF8000  }
0x5b: {  	[tilespmem:s4], [sflag:$0x2] =	stream.linear.gather [hbm4b:s29+s2], $0x8000, $0x38;
	[tilespmem:$0x10000] =	vst v63  }
0x5c: {  	_ =	swait.ge [sflag:s5], $0x8000  }
0x5d: {  	[sflag:s5] =	ssyncset.done $0x0  }
0x5e: {  	s30 =	sadd.s32 s31, s1;
	[sflag:s5] =	ssyncadd.s32 $0xFFFF8000  }
0x5f: {  	[hbm4b:s30+s2] =	stream.linear.scatter [tilespmem:s2], [sflag:$0x3], $0x8000, $0x38;
	[tilespmem:$0x10000] =	vst v63  }
0x60: {  	_ =	swait.ge [sflag:s9], $0x8000  }
0x61: {  	[sflag:s9] =	ssyncset.done $0x0;
	s1 =	rddreg [dreg:$0x4]  }
0x62: {  	s31 =	sadd.s32 s31, s0;
	s0 =	ssub.s32 $0x2, s1;
	[sflag:s9] =	ssyncadd.s32 $0xFFFF8000  }
0x63: {  	[hbm4b:s31+s2] =	stream.linear.scatter [tilespmem:s4], [sflag:$0x4], $0x8000, $0x38;
	[tilespmem:$0x10000] =	vst v63  }
0x64: {  	s1 =	sshrl.u32 s0, $0x1  }
0x65: {  	s0 =	ssub.s32 s0, s1  }
0x66: {  	s0 =	smax.u32 s0, $0x1  }
0x67: {  	p0 =	sne.s32 s0, $0x1  }
.Ltmp0:
0x68: {  	_ =	swait.ge [sflag:s7], $0x8000;
	(pc) =	sbr.rel @!p0 .LBB2_2-.Ltmp0, $4  }
0x69: {  	[sflag:s7] =	ssyncset.done $0x0  }
0x6a: {  	[sflag:s7] =	ssyncadd.s32 $0xFFFF8000  }
0x6b: {  	_ =	swait.ge [sflag:s10], $0x8000  }
0x6c: {  	s1 =	sadd.s32 $0xFFFFFFFF, s0;
	[sflag:s10] =	ssyncset.done $0x0  }
.LBB2_1:
0x6d: {  	s0 =	rddreg [dreg:$0x3];
	[sflag:s10] =	ssyncadd.s32 $0xFFFF8000  }
0x6e: {  	[tilespmem:s2], [sflag:$0x1] =	stream.linear.gather [hbm4b:s0+s2], $0x8000, $0x38;
	[tilespmem:$0x10000] =	vst v63  }
0x6f: {  	_ = 	snop  }
0x70: {  	[tilespmem:s4], [sflag:$0x2] =	stream.linear.gather [hbm4b:s3+s2], $0x8000, $0x38;
	[tilespmem:$0x10000] =	vst v63  }
0x71: {  	_ =	swait.ge [sflag:s5], $0x8000  }
0x72: {  	[sflag:s5] =	ssyncset.done $0x0  }
0x73: {  	[sflag:s5] =	ssyncadd.s32 $0xFFFF8000  }
0x74: {  	[hbm4b:s6+s2] =	stream.linear.scatter [tilespmem:s2], [sflag:$0x3], $0x8000, $0x38;
	[tilespmem:$0x10000] =	vst v63  }
0x75: {  	_ =	swait.ge [sflag:s7], $0x8000  }
0x76: {  	[sflag:s7] =	ssyncset.done $0x0  }
0x77: {  	[sflag:s7] =	ssyncadd.s32 $0xFFFF8000  }
0x78: {  	[tilespmem:s2], [sflag:$0x1] =	stream.linear.gather [hbm4b:s8+s2], $0x8000, $0x38;
	[tilespmem:$0x10000] =	vst v63  }
0x79: {  	_ =	swait.ge [sflag:s9], $0x8000  }
0x7a: {  	[sflag:s9] =	ssyncset.done $0x0  }
0x7b: {  	[sflag:s9] =	ssyncadd.s32 $0xFFFF8000  }
0x7c: {  	[hbm4b:s11+s2] =	stream.linear.scatter [tilespmem:s4], [sflag:$0x4], $0x8000, $0x38;
	[tilespmem:$0x10000] =	vst v63  }
0x7d: {  	_ =	swait.ge [sflag:s10], $0x8000  }
0x7e: {  	[sflag:s10] =	ssyncset.done $0x0  }
0x7f: {  	[sflag:s10] =	ssyncadd.s32 $0xFFFF8000  }
0x80: {  	[tilespmem:s4], [sflag:$0x2] =	stream.linear.gather [hbm4b:s12+s2], $0x8000, $0x38;
	[tilespmem:$0x10000] =	vst v63  }
0x81: {  	_ =	swait.ge [sflag:s5], $0x8000  }
0x82: {  	[sflag:s5] =	ssyncset.done $0x0  }
0x83: {  	[sflag:s5] =	ssyncadd.s32 $0xFFFF8000  }
0x84: {  	[hbm4b:s13+s2] =	stream.linear.scatter [tilespmem:s2], [sflag:$0x3], $0x8000, $0x38;
	[tilespmem:$0x10000] =	vst v63  }
0x85: {  	_ =	swait.ge [sflag:s7], $0x8000  }
0x86: {  	[sflag:s7] =	ssyncset.done $0x0  }
0x87: {  	[sflag:s7] =	ssyncadd.s32 $0xFFFF8000  }
0x88: {  	[tilespmem:s2], [sflag:$0x1] =	stream.linear.gather [hbm4b:s14+s2], $0x8000, $0x38;
	[tilespmem:$0x10000] =	vst v63  }
0x89: {  	_ =	swait.ge [sflag:s9], $0x8000  }
0x8a: {  	[sflag:s9] =	ssyncset.done $0x0  }
0x8b: {  	[sflag:s9] =	ssyncadd.s32 $0xFFFF8000  }
0x8c: {  	[hbm4b:s15+s2] =	stream.linear.scatter [tilespmem:s4], [sflag:$0x4], $0x8000, $0x38;
	[tilespmem:$0x10000] =	vst v63  }
0x8d: {  	_ =	swait.ge [sflag:s10], $0x8000  }
0x8e: {  	[sflag:s10] =	ssyncset.done $0x0  }
0x8f: {  	[sflag:s10] =	ssyncadd.s32 $0xFFFF8000  }
0x90: {  	[tilespmem:s4], [sflag:$0x2] =	stream.linear.gather [hbm4b:s16+s2], $0x8000, $0x38;
	[tilespmem:$0x10000] =	vst v63  }
0x91: {  	_ =	swait.ge [sflag:s5], $0x8000  }
0x92: {  	[sflag:s5] =	ssyncset.done $0x0  }
0x93: {  	[sflag:s5] =	ssyncadd.s32 $0xFFFF8000  }
0x94: {  	[hbm4b:s17+s2] =	stream.linear.scatter [tilespmem:s2], [sflag:$0x3], $0x8000, $0x38;
	[tilespmem:$0x10000] =	vst v63  }
0x95: {  	_ =	swait.ge [sflag:s7], $0x8000  }
0x96: {  	[sflag:s7] =	ssyncset.done $0x0  }
0x97: {  	[sflag:s7] =	ssyncadd.s32 $0xFFFF8000  }
0x98: {  	[tilespmem:s2], [sflag:$0x1] =	stream.linear.gather [hbm4b:s18+s2], $0x8000, $0x38;
	[tilespmem:$0x10000] =	vst v63  }
0x99: {  	_ =	swait.ge [sflag:s9], $0x8000  }
0x9a: {  	[sflag:s9] =	ssyncset.done $0x0  }
0x9b: {  	[sflag:s9] =	ssyncadd.s32 $0xFFFF8000  }
0x9c: {  	[hbm4b:s19+s2] =	stream.linear.scatter [tilespmem:s4], [sflag:$0x4], $0x8000, $0x38;
	[tilespmem:$0x10000] =	vst v63  }
0x9d: {  	_ =	swait.ge [sflag:s10], $0x8000  }
0x9e: {  	[sflag:s10] =	ssyncset.done $0x0  }
0x9f: {  	[sflag:s10] =	ssyncadd.s32 $0xFFFF8000  }
0xa0: {  	[tilespmem:s4], [sflag:$0x2] =	stream.linear.gather [hbm4b:s20+s2], $0x8000, $0x38;
	[tilespmem:$0x10000] =	vst v63  }
0xa1: {  	_ =	swait.ge [sflag:s5], $0x8000  }
0xa2: {  	[sflag:s5] =	ssyncset.done $0x0  }
0xa3: {  	[sflag:s5] =	ssyncadd.s32 $0xFFFF8000  }
0xa4: {  	[hbm4b:s21+s2] =	stream.linear.scatter [tilespmem:s2], [sflag:$0x3], $0x8000, $0x38;
	[tilespmem:$0x10000] =	vst v63  }
0xa5: {  	_ =	swait.ge [sflag:s7], $0x8000  }
0xa6: {  	[sflag:s7] =	ssyncset.done $0x0  }
0xa7: {  	[sflag:s7] =	ssyncadd.s32 $0xFFFF8000  }
0xa8: {  	[tilespmem:s2], [sflag:$0x1] =	stream.linear.gather [hbm4b:s22+s2], $0x8000, $0x38;
	[tilespmem:$0x10000] =	vst v63  }
0xa9: {  	_ =	swait.ge [sflag:s9], $0x8000  }
0xaa: {  	[sflag:s9] =	ssyncset.done $0x0  }
0xab: {  	[sflag:s9] =	ssyncadd.s32 $0xFFFF8000  }
0xac: {  	[hbm4b:s23+s2] =	stream.linear.scatter [tilespmem:s4], [sflag:$0x4], $0x8000, $0x38;
	[tilespmem:$0x10000] =	vst v63  }
0xad: {  	_ =	swait.ge [sflag:s10], $0x8000  }
0xae: {  	[sflag:s10] =	ssyncset.done $0x0  }
0xaf: {  	[sflag:s10] =	ssyncadd.s32 $0xFFFF8000  }
0xb0: {  	[tilespmem:s4], [sflag:$0x2] =	stream.linear.gather [hbm4b:s24+s2], $0x8000, $0x38;
	[tilespmem:$0x10000] =	vst v63  }
0xb1: {  	_ =	swait.ge [sflag:s5], $0x8000  }
0xb2: {  	[sflag:s5] =	ssyncset.done $0x0  }
0xb3: {  	[sflag:s5] =	ssyncadd.s32 $0xFFFF8000  }
0xb4: {  	[hbm4b:s25+s2] =	stream.linear.scatter [tilespmem:s2], [sflag:$0x3], $0x8000, $0x38;
	[tilespmem:$0x10000] =	vst v63  }
0xb5: {  	_ =	swait.ge [sflag:s7], $0x8000  }
0xb6: {  	[sflag:s7] =	ssyncset.done $0x0  }
0xb7: {  	[sflag:s7] =	ssyncadd.s32 $0xFFFF8000  }
0xb8: {  	[tilespmem:s2], [sflag:$0x1] =	stream.linear.gather [hbm4b:s26+s2], $0x8000, $0x38;
	[tilespmem:$0x10000] =	vst v63  }
0xb9: {  	_ =	swait.ge [sflag:s9], $0x8000  }
0xba: {  	[sflag:s9] =	ssyncset.done $0x0  }
0xbb: {  	[sflag:s9] =	ssyncadd.s32 $0xFFFF8000  }
0xbc: {  	[hbm4b:s28+s2] =	stream.linear.scatter [tilespmem:s4], [sflag:$0x4], $0x8000, $0x38;
	[tilespmem:$0x10000] =	vst v63  }
0xbd: {  	_ =	swait.ge [sflag:s10], $0x8000  }
0xbe: {  	[sflag:s10] =	ssyncset.done $0x0  }
0xbf: {  	[sflag:s10] =	ssyncadd.s32 $0xFFFF8000  }
0xc0: {  	[tilespmem:s4], [sflag:$0x2] =	stream.linear.gather [hbm4b:s29+s2], $0x8000, $0x38;
	[tilespmem:$0x10000] =	vst v63  }
0xc1: {  	_ =	swait.ge [sflag:s5], $0x8000  }
0xc2: {  	[sflag:s5] =	ssyncset.done $0x0  }
0xc3: {  	[sflag:s5] =	ssyncadd.s32 $0xFFFF8000  }
0xc4: {  	[hbm4b:s30+s2] =	stream.linear.scatter [tilespmem:s2], [sflag:$0x3], $0x8000, $0x38;
	[tilespmem:$0x10000] =	vst v63  }
0xc5: {  	_ =	swait.ge [sflag:s9], $0x8000  }
0xc6: {  	[sflag:s9] =	ssyncset.done $0x0  }
0xc7: {  	p0 =	sne.s32 s1, $0x1;
	[sflag:s9] =	ssyncadd.s32 $0xFFFF8000  }
0xc8: {  	[hbm4b:s31+s2] =	stream.linear.scatter [tilespmem:s4], [sflag:$0x4], $0x8000, $0x38;
	[tilespmem:$0x10000] =	vst v63  }
.Ltmp1:
0xc9: {  	_ =	swait.ge [sflag:s7], $0x8000;
	(pc) =	sbr.rel @p0 .LBB2_1-.Ltmp1, $4  }
0xca: {  	[sflag:s7] =	ssyncset.done $0x0  }
0xcb: {  	[sflag:s7] =	ssyncadd.s32 $0xFFFF8000  }
0xcc: {  	_ =	swait.ge [sflag:s10], $0x8000  }
0xcd: {  	s1 =	sadd.s32 $0xFFFFFFFF, s1;
	[sflag:s10] =	ssyncset.done $0x0  }
.LBB2_2:
0xce: {  	[sflag:s10] =	ssyncadd.s32 $0xFFFF8000  }
0xcf: {  	_ =	sfence.sel $0x180000  }
0xd0: {  	[bflag:$0x0] =	sbarrier.arrive $0xFFFF  }
0xd1: {  	_ =	strace $0x90000047  }
0xd2: {  	s0 =	stileid.u32;
	[bflag:$0x2] =	sbarrier.arrive $0xFFFF  }
0xd3: {  	p0 =	sne.s32 s0, $0x0;
	s0 =	rddreg [dreg:$0x2]  }
0xd4: {  	s0 =	sadd.s32 @!p0 $0x100000, s0  }
0xd5: {  	[sflag:s0] =	ssyncadd.tile.s32 @!p0 $0x1;
	_ =	shalt  }
.Lfunc_end2:
_tile_overlayer_lowered:
.L_overlay_start_2:
0xd6: {  	(tag) =	ssettag $0x2  }
0xd7: {  	s0 =	rddreg [dreg:$0x0];
	s2 =	stileid.u32  }
0xd8: {  	s1 =	rddreg [dreg:$0x1];
	p0 =	sne.s32 s2, $0x0  }
0xd9: {  	s3 =	rddreg [dreg:$0x2];
	[bflag:$0x3] =	sbarrier.arrive $0xFFFF;
	s2 =	simm.s32 @!p0 $0x1C05  }
0xda: {  	[timem:s3], [sflag:s2] =	dma.local @!p0 [hbm:s0], s1  }
0xdb: {  	s0 =	simm.s32 @!p0 $0x5  }
0xdc: {  	_ =	swait.ge @!p0 [sflag:s0], s1  }
0xdd: {  	s1 =	ssub.s32 @!p0 $0x0, s1;
	[sflag:s0] =	ssyncset.done @!p0 $0x0  }
0xde: {  	[sflag:s0] =	ssyncadd.s32 @!p0 s1  }
0xdf: {  	[bflag:$0x3] =	sbarrier.arrive $0xFFFF  }
0xe0: {  	_ =	shalt  }

</sc_bundles>
